<compile_context>
chip_gen: v7x
topology: tpu7x:2x2x1
jax: 0.10.2.dev20260603
libtpu: 0.0.44.dev20260713+nightly
codegen_flags: <defaults>
</compile_context>

<pallas_src>
import functools

import jax
import jax.numpy as jnp
from jax import lax
from jax.experimental import pallas as pl
from jax.experimental.pallas import tpu as pltpu
from jax.experimental.pallas import tpu_sc as plsc

DIM = 64
PDIM = 128
HALF = 500000
PACK_C = 400
PACK_NBLK = HALF // PACK_C
NC = 2
NS = 16
NW = NC * NS


def _make_gather(batch: int):
    b_per_w = batch // NW
    n_blocks = b_per_w // PDIM

    mesh = plsc.VectorSubcoreMesh(core_axis_name="c", subcore_axis_name="s")

    @functools.partial(
        pl.kernel,
        mesh=mesh,
        out_type=jax.ShapeDtypeStruct((50, DIM, 16384), jnp.float32),
        compiler_params=pltpu.CompilerParams(needs_layout_passes=False),
        scratch_types=[
            pltpu.VMEM((b_per_w,), jnp.int32),
            pltpu.VMEM((PDIM, PDIM), jnp.float32),
            pltpu.VMEM((PDIM, PDIM), jnp.float32),
            pltpu.VMEM((DIM, PDIM), jnp.float32),
            pltpu.VMEM((DIM, PDIM), jnp.float32),
            pltpu.SemaphoreType.DMA,
            pltpu.SemaphoreType.DMA,
            pltpu.SemaphoreType.DMA,
            pltpu.SemaphoreType.DMA,
        ],
    )
    def gather(idx2_hbm, tpack_hbm, out_hbm, idx_v,
               rows0, rows1, tout0, tout1, sg0, sg1, sw0, sw1):
        wid = lax.axis_index("s") * NC + lax.axis_index("c")
        base = wid * b_per_w
        pltpu.sync_copy(idx2_hbm.at[pl.ds(base, b_per_w)], idx_v)
        iota = jnp.arange(16, dtype=jnp.int32)
        rowvs = [iota + 16 * jb for jb in range(8)]

        def g_copy(k, rows, sg):
            idx_sl = idx_v.at[pl.ds(k * PDIM, PDIM)]
            return pltpu.make_async_copy(tpack_hbm.at[idx_sl], rows, sg)

        def out_copy(k, tout, sw):
            blk = wid * n_blocks + k
            h = blk // PDIM
            bb = blk % PDIM
            return pltpu.make_async_copy(
                tout, out_hbm.at[h, :, pl.ds(bb * PDIM, PDIM)], sw)

        def transpose(rows_v, tout_v):
            @plsc.parallel_loop(0, DIM, 1, unroll=8)
            def _(d):
                dcol = jnp.full((16,), d, jnp.int32)
                for jb in range(8):
                    val = plsc.load_gather(rows_v, [rowvs[jb], dcol])
                    tout_v[d, pl.ds(16 * jb, 16)] = val

        def stage(k, g, rows_a, sg_a, rows_b, sg_b, tout_a, sw_a, last):
            @pl.when(jnp.logical_not(last))
            def _():
                g_copy(k + 1, rows_b, sg_b).start()
            g_copy(k, rows_a, sg_a).wait()

            @pl.when(g > 0)
            def _():
                out_copy(k - 2, tout_a, sw_a).wait()
            transpose(rows_a, tout_a)
            out_copy(k, tout_a, sw_a).start()

        def body(g, carry):
            k0 = 2 * g
            f = jnp.bool_(False)
            stage(k0, g, rows0, sg0, rows1, sg1, tout0, sw0, f)
            stage(k0 + 1, g, rows1, sg1, rows0, sg0, tout1, sw1,
                  g == n_blocks // 2 - 1)
            return carry

        g_copy(0, rows0, sg0).start()
        lax.fori_loop(0, n_blocks // 2, body, 0)
        out_copy(n_blocks - 2, tout0, sw0).wait()
        out_copy(n_blocks - 1, tout1, sw1).wait()

    return gather


def kernel(tokens, table):
    b, h = tokens.shape
    flat = tokens.astype(jnp.int32).T.reshape(-1)
    tpack = jnp.pad(table, ((0, 0), (0, PDIM - DIM)))
    out3 = _make_gather(b * h)(flat, tpack)
    return jnp.transpose(out3, (2, 0, 1))

# --- scband reference (transcript-rebuilt; emitter-appended) ---
"""Pipeline reference for scband-embedding-33191507263542 (READ-ONLY COPY).

The authoritative reference and input builder live on the scoring server;
editing this copy changes nothing except your own understanding.
"""

import jax, jax.numpy as jnp
import numpy as np

VOCAB = 1000000
DIM = 64
PAD = 0
BATCH = 16384
HIST = 50


def setup_inputs(seed: int = 0) -> dict:
    key = jax.random.key(seed)
    k1, k2 = jax.random.split(key)
    tokens = jax.random.randint(k1, (BATCH, HIST), 0, VOCAB, dtype=jnp.int64 if jax.config.jax_enable_x64 else jnp.int32)
    table = jax.random.normal(k2, (VOCAB, DIM), dtype=jnp.float32) * 0.02
    return {"tokens": tokens, "table": table}


def reference(tokens, table):
    # F.embedding(tokens, table, padding_idx=PAD): forward is a plain row gather;
    # padding_idx only affects the backward pass (grad of pad row is zeroed).
    data = jnp.take(table, tokens, axis=0)
    return data

if __name__ == "__main__":
    import jax
    _d = setup_inputs()
    print(jax.jit(kernel)(*tuple(_d.values())))

</pallas_src>

<mosaic_0001>
#map = affine_map<(d0, d1) -> (0)>
#map1 = affine_map<(d0, d1) -> (0, 0)>
#map2 = affine_map<(d0, d1) -> (0, 0, 0)>
module attributes {stable_mosaic.version = 14 : i64} {
  func.func @gather(%arg0: i32, %arg1: i32, %arg2: memref<819200xi32, #tpu.memory_space<hbm>>, %arg3: memref<1000000x128xf32, #tpu.memory_space<hbm>>, %arg4: memref<50x64x16384xf32, #tpu.memory_space<hbm>>, %arg5: memref<25600xi32, #tpu.memory_space<vmem>>, %arg6: memref<128x128xf32, #tpu.memory_space<vmem>>, %arg7: memref<128x128xf32, #tpu.memory_space<vmem>>, %arg8: memref<64x128xf32, #tpu.memory_space<vmem>>, %arg9: memref<64x128xf32, #tpu.memory_space<vmem>>, %arg10: memref<!tpu.dma_semaphore, #tpu.memory_space<semaphore_mem>>, %arg11: memref<!tpu.dma_semaphore, #tpu.memory_space<semaphore_mem>>, %arg12: memref<!tpu.dma_semaphore, #tpu.memory_space<semaphore_mem>>, %arg13: memref<!tpu.dma_semaphore, #tpu.memory_space<semaphore_mem>>) attributes {dimension_semantics = [#tpu.dimension_semantics<core_parallel>, #tpu.dimension_semantics<subcore_parallel>], iteration_bounds = array<i64: 2, 16>, scalar_prefetch = 0 : i64, scratch_operands = 9 : i64, tpu.core_type = #tpu.core_type<sc_vector_subcore>, window_params = [{transform_indices = #map}, {transform_indices = #map1}, {transform_indices = #map2}]} {
    %mul3A = arith.constant 2 : i32
    %mul3A_0 = arith.muli %arg1, %mul3A : i32
    %add3A = arith.addi %mul3A_0, %arg0 : i32
    %mul3A_1 = arith.constant 25600 : i32
    %mul3A_2 = arith.muli %add3A, %mul3A_1 : i32
    "tpu.region"() ({
      %run_scoped3A = tpu.sem_alloc : memref<!tpu.dma_semaphore, #tpu.memory_space<semaphore_mem>>
      %dma_start3A_129 = tpu.memref_slice %arg2[%mul3A_2] : memref<819200xi32, #tpu.memory_space<hbm>> -> memref<25600xi32, #tpu.memory_space<hbm>>
      %dma_start3A_130 = tpu.memref_slice %arg2[%mul3A_2] : memref<819200xi32, #tpu.memory_space<hbm>> -> memref<25600xi32, #tpu.memory_space<hbm>>
      tpu.enqueue_dma source(%dma_start3A_130 : memref<25600xi32, #tpu.memory_space<hbm>>) target(%arg5 : memref<25600xi32, #tpu.memory_space<vmem>>) target_semaphore(%run_scoped3A : memref<!tpu.dma_semaphore, #tpu.memory_space<semaphore_mem>>)
      %dma_wait3A_131 = tpu.memref_slice %arg2[%mul3A_2] : memref<819200xi32, #tpu.memory_space<hbm>> -> memref<25600xi32, #tpu.memory_space<hbm>>
      %dma_wait3A_132 = tpu.memref_slice %arg2[%mul3A_2] : memref<819200xi32, #tpu.memory_space<hbm>> -> memref<25600xi32, #tpu.memory_space<hbm>>
      tpu.wait_dma2 semaphore(%run_scoped3A : memref<!tpu.dma_semaphore, #tpu.memory_space<semaphore_mem>>) src(%dma_wait3A_132 : memref<25600xi32, #tpu.memory_space<hbm>>) dst(%arg5 : memref<25600xi32, #tpu.memory_space<vmem>>)
      tpu.yield
    }) : () -> ()
    %iota3A = tpu.iota {dimensions = array<i32: 0>} : vector<16xi32>
    %add3A_3 = arith.constant 0 : i32
    %add3A_4 = vector.broadcast %add3A_3 : i32 to vector<16xi32>
    %add3A_5 = arith.addi %iota3A, %add3A_4 : vector<16xi32>
    %add3A_6 = arith.constant 16 : i32
    %add3A_7 = vector.broadcast %add3A_6 : i32 to vector<16xi32>
    %add3A_8 = arith.addi %iota3A, %add3A_7 : vector<16xi32>
    %add3A_9 = arith.constant 32 : i32
    %add3A_10 = vector.broadcast %add3A_9 : i32 to vector<16xi32>
    %add3A_11 = arith.addi %iota3A, %add3A_10 : vector<16xi32>
    %add3A_12 = arith.constant 48 : i32
    %add3A_13 = vector.broadcast %add3A_12 : i32 to vector<16xi32>
    %add3A_14 = arith.addi %iota3A, %add3A_13 : vector<16xi32>
    %add3A_15 = arith.constant 64 : i32
    %add3A_16 = vector.broadcast %add3A_15 : i32 to vector<16xi32>
    %add3A_17 = arith.addi %iota3A, %add3A_16 : vector<16xi32>
    %add3A_18 = arith.constant 80 : i32
    %add3A_19 = vector.broadcast %add3A_18 : i32 to vector<16xi32>
    %add3A_20 = arith.addi %iota3A, %add3A_19 : vector<16xi32>
    %add3A_21 = arith.constant 96 : i32
    %add3A_22 = vector.broadcast %add3A_21 : i32 to vector<16xi32>
    %add3A_23 = arith.addi %iota3A, %add3A_22 : vector<16xi32>
    %add3A_24 = arith.constant 112 : i32
    %add3A_25 = vector.broadcast %add3A_24 : i32 to vector<16xi32>
    %add3A_26 = arith.addi %iota3A, %add3A_25 : vector<16xi32>
    %dma_start3A = arith.constant 0 : i32
    %dma_start3A_27 = tpu.memref_slice %arg5[%dma_start3A] : memref<25600xi32, #tpu.memory_space<vmem>> -> memref<128xi32, #tpu.memory_space<vmem>>
    %dma_start3A_28 = arith.constant 0 : i32
    %dma_start3A_29 = arith.constant 0 : i32
    %dma_start3A_30 = tpu.memref_slice %arg3[%dma_start3A_28, %dma_start3A_29] : memref<1000000x128xf32, #tpu.memory_space<hbm>> -> memref<1000000x128xf32, #tpu.memory_space<hbm>>
    tpu.enqueue_indirect_dma source(%dma_start3A_30 : memref<1000000x128xf32, #tpu.memory_space<hbm>>) target(%arg6 : memref<128x128xf32, #tpu.memory_space<vmem>>) offsets(%dma_start3A_27 : memref<128xi32, #tpu.memory_space<vmem>>) semaphore(%arg10 : memref<!tpu.dma_semaphore, #tpu.memory_space<semaphore_mem>>)
    %scan3A = arith.constant 0 : i32
    %scan3A_31 = arith.constant 0 : i32
    %scan3A_32 = arith.constant 100 : i32
    %scan3A_33 = arith.addi %scan3A_31, %scan3A_32 : i32
    %scan3A_34 = arith.constant 1 : i32
    scf.for %scan3A_129 = %scan3A_31 to %scan3A_33 step %scan3A_34  : i32 {
      %mul3A_130 = arith.constant 2 : i32
      %mul3A_131 = arith.muli %mul3A_130, %scan3A_129 : i32
      %not3A = arith.constant false
      %not3A_132 = arith.constant true
      %not3A_133 = arith.xori %not3A, %not3A_132 : i1
      %convert_element_type3A = arith.extui %not3A_133 : i1 to i32
      %cond3A = arith.constant 0 : i32
      %cond3A_134 = arith.cmpi ne, %convert_element_type3A, %cond3A : i32
      scf.if %cond3A_134 {
        %add3A_272 = arith.constant 1 : i32
        %add3A_273 = arith.addi %mul3A_131, %add3A_272 : i32
        %mul3A_274 = arith.constant 128 : i32
        %mul3A_275 = arith.muli %add3A_273, %mul3A_274 : i32
        %dma_start3A_276 = tpu.memref_slice %arg5[%mul3A_275] : memref<25600xi32, #tpu.memory_space<vmem>> -> memref<128xi32, #tpu.memory_space<vmem>>
        %dma_start3A_277 = arith.constant 0 : i32
        %dma_start3A_278 = arith.constant 0 : i32
        %dma_start3A_279 = tpu.memref_slice %arg3[%dma_start3A_277, %dma_start3A_278] : memref<1000000x128xf32, #tpu.memory_space<hbm>> -> memref<1000000x128xf32, #tpu.memory_space<hbm>>
        tpu.enqueue_indirect_dma source(%dma_start3A_279 : memref<1000000x128xf32, #tpu.memory_space<hbm>>) target(%arg7 : memref<128x128xf32, #tpu.memory_space<vmem>>) offsets(%dma_start3A_276 : memref<128xi32, #tpu.memory_space<vmem>>) semaphore(%arg11 : memref<!tpu.dma_semaphore, #tpu.memory_space<semaphore_mem>>)
      } else {
      }
      %mul3A_135 = arith.constant 128 : i32
      %mul3A_136 = arith.muli %mul3A_131, %mul3A_135 : i32
      %dma_wait3A_137 = tpu.memref_slice %arg5[%mul3A_136] : memref<25600xi32, #tpu.memory_space<vmem>> -> memref<128xi32, #tpu.memory_space<vmem>>
      %dma_wait3A_138 = arith.constant 0 : i32
      %dma_wait3A_139 = arith.constant 0 : i32
      %dma_wait3A_140 = tpu.memref_slice %arg3[%dma_wait3A_138, %dma_wait3A_139] : memref<1000000x128xf32, #tpu.memory_space<hbm>> -> memref<1000000x128xf32, #tpu.memory_space<hbm>>
      tpu.wait_indirect_dma semaphore(%arg10 : memref<!tpu.dma_semaphore, #tpu.memory_space<semaphore_mem>>) src(%dma_wait3A_140 : memref<1000000x128xf32, #tpu.memory_space<hbm>>) dst(%arg6 : memref<128x128xf32, #tpu.memory_space<vmem>>)
      %gt3A = arith.constant 0 : i32
      %gt3A_141 = arith.cmpi sgt, %scan3A_129, %gt3A : i32
      %convert_element_type3A_142 = arith.extui %gt3A_141 : i1 to i32
      %cond3A_143 = arith.constant 0 : i32
      %cond3A_144 = arith.cmpi ne, %convert_element_type3A_142, %cond3A_143 : i32
      scf.if %cond3A_144 {
        %sub3A_272 = arith.constant 2 : i32
        %sub3A_273 = arith.subi %mul3A_131, %sub3A_272 : i32
        %mul3A_274 = arith.constant 200 : i32
        %mul3A_275 = arith.muli %add3A, %mul3A_274 : i32
        %add3A_276 = arith.addi %mul3A_275, %sub3A_273 : i32
        %jit3A_277 = arith.constant 128 : i32
        %div3A_278 = arith.divsi %add3A_276, %jit3A_277 : i32
        %sign3A_279 = arith.constant 0 : i32
        %sign3A_280 = arith.cmpi sgt, %add3A_276, %sign3A_279 : i32
        %sign3A_281 = arith.extui %sign3A_280 : i1 to i32
        %sign3A_282 = arith.constant 0 : i32
        %sign3A_283 = arith.cmpi slt, %add3A_276, %sign3A_282 : i32
        %sign3A_284 = arith.extui %sign3A_283 : i1 to i32
        %sign3A_285 = arith.subi %sign3A_281, %sign3A_284 : i32
        %sign3A_286 = arith.constant 0 : i32
        %sign3A_287 = arith.cmpi sgt, %jit3A_277, %sign3A_286 : i32
        %sign3A_288 = arith.extui %sign3A_287 : i1 to i32
        %sign3A_289 = arith.constant 0 : i32
        %sign3A_290 = arith.cmpi slt, %jit3A_277, %sign3A_289 : i32
        %sign3A_291 = arith.extui %sign3A_290 : i1 to i32
        %sign3A_292 = arith.subi %sign3A_288, %sign3A_291 : i32
        %ne3A_293 = arith.cmpi ne, %sign3A_285, %sign3A_292 : i32
        %rem3A_294 = arith.remsi %add3A_276, %jit3A_277 : i32
        %ne3A_295 = arith.constant 0 : i32
        %ne3A_296 = arith.cmpi ne, %rem3A_294, %ne3A_295 : i32
        %and3A_297 = arith.andi %ne3A_293, %ne3A_296 : i1
        %sub3A_298 = arith.constant 1 : i32
        %sub3A_299 = arith.subi %div3A_278, %sub3A_298 : i32
        %select_n3A_300 = arith.select %and3A_297, %sub3A_299, %div3A_278 : i32
        %jit3A_301 = arith.constant 128 : i32
        %eq3A_302 = arith.constant 0 : i32
        %eq3A_303 = arith.cmpi eq, %jit3A_301, %eq3A_302 : i32
        %jit3A_304 = arith.constant 1 : i32
        %select_n3A_305 = arith.select %eq3A_303, %jit3A_304, %jit3A_301 : i32
        %rem3A_306 = arith.remsi %add3A_276, %select_n3A_305 : i32
        %ne3A_307 = arith.constant 0 : i32
        %ne3A_308 = arith.cmpi ne, %rem3A_306, %ne3A_307 : i32
        %lt3A_309 = arith.constant 0 : i32
        %lt3A_310 = arith.cmpi slt, %rem3A_306, %lt3A_309 : i32
        %lt3A_311 = arith.constant 0 : i32
        %lt3A_312 = arith.cmpi slt, %select_n3A_305, %lt3A_311 : i32
        %ne3A_313 = arith.xori %lt3A_310, %lt3A_312 : i1
        %and3A_314 = arith.andi %ne3A_313, %ne3A_308 : i1
        %add3A_315 = arith.addi %rem3A_306, %select_n3A_305 : i32
        %select_n3A_316 = arith.select %and3A_314, %add3A_315, %rem3A_306 : i32
        %mul3A_317 = arith.constant 128 : i32
        %mul3A_318 = arith.muli %select_n3A_316, %mul3A_317 : i32
        %dma_wait3A_319 = arith.constant 0 : i32
        %dma_wait3A_320 = tpu.memref_slice %arg4[%select_n3A_300, %dma_wait3A_319, %mul3A_318] : memref<50x64x16384xf32, #tpu.memory_space<hbm>> -> memref<1x64x128xf32, #tpu.memory_space<hbm>>
        %dma_wait3A_321 = tpu.memref_squeeze %dma_wait3A_320 : memref<1x64x128xf32, #tpu.memory_space<hbm>> -> memref<64x128xf32, #tpu.memory_space<hbm>>
        %dma_wait3A_322 = arith.constant 0 : i32
        %dma_wait3A_323 = tpu.memref_slice %arg4[%select_n3A_300, %dma_wait3A_322, %mul3A_318] : memref<50x64x16384xf32, #tpu.memory_space<hbm>> -> memref<1x64x128xf32, #tpu.memory_space<hbm>>
        %dma_wait3A_324 = tpu.memref_squeeze %dma_wait3A_323 : memref<1x64x128xf32, #tpu.memory_space<hbm>> -> memref<64x128xf32, #tpu.memory_space<hbm>>
        tpu.wait_dma2 semaphore(%arg12 : memref<!tpu.dma_semaphore, #tpu.memory_space<semaphore_mem>>) src(%arg8 : memref<64x128xf32, #tpu.memory_space<vmem>>) dst(%dma_wait3A_324 : memref<64x128xf32, #tpu.memory_space<hbm>>)
      } else {
      }
      %parallel_loop3A = arith.constant 0 : i32
      %parallel_loop3A_145 = arith.constant 64 : i32
      %parallel_loop3A_146 = arith.constant 1 : i32
      scf.for %parallel_loop3A_272 = %parallel_loop3A to %parallel_loop3A_145 step %parallel_loop3A_146  : i32 {
        %parallel_loop3A_273 = vector.broadcast %parallel_loop3A_272 : i32 to vector<16xi32>
        %parallel_loop3A_274 = tpu.vector_load_idx %arg6[%add3A_5, %parallel_loop3A_273] : memref<128x128xf32, #tpu.memory_space<vmem>>[vector<16xi32>, vector<16xi32>], vector<16xf32>,
        %parallel_loop3A_275 = arith.index_cast %parallel_loop3A_272 : i32 to index
        %parallel_loop3A_276 = arith.constant 0 : index
        %parallel_loop3A_277 = tpu.vector_load %arg8[%parallel_loop3A_275, %parallel_loop3A_276] {strides = array<i32>} : memref<64x128xf32, #tpu.memory_space<vmem>>, vector<16xf32>,
        tpu.vector_store %arg8[%parallel_loop3A_275, %parallel_loop3A_276], %parallel_loop3A_274 {strides = array<i32>} : memref<64x128xf32, #tpu.memory_space<vmem>>, vector<16xf32>,
        %parallel_loop3A_278 = tpu.vector_load_idx %arg6[%add3A_8, %parallel_loop3A_273] : memref<128x128xf32, #tpu.memory_space<vmem>>[vector<16xi32>, vector<16xi32>], vector<16xf32>,
        %parallel_loop3A_279 = arith.index_cast %parallel_loop3A_272 : i32 to index
        %parallel_loop3A_280 = arith.constant 16 : index
        %parallel_loop3A_281 = tpu.vector_load %arg8[%parallel_loop3A_279, %parallel_loop3A_280] {strides = array<i32>} : memref<64x128xf32, #tpu.memory_space<vmem>>, vector<16xf32>,
        tpu.vector_store %arg8[%parallel_loop3A_279, %parallel_loop3A_280], %parallel_loop3A_278 {strides = array<i32>} : memref<64x128xf32, #tpu.memory_space<vmem>>, vector<16xf32>,
        %parallel_loop3A_282 = tpu.vector_load_idx %arg6[%add3A_11, %parallel_loop3A_273] : memref<128x128xf32, #tpu.memory_space<vmem>>[vector<16xi32>, vector<16xi32>], vector<16xf32>,
        %parallel_loop3A_283 = arith.index_cast %parallel_loop3A_272 : i32 to index
        %parallel_loop3A_284 = arith.constant 32 : index
        %parallel_loop3A_285 = tpu.vector_load %arg8[%parallel_loop3A_283, %parallel_loop3A_284] {strides = array<i32>} : memref<64x128xf32, #tpu.memory_space<vmem>>, vector<16xf32>,
        tpu.vector_store %arg8[%parallel_loop3A_283, %parallel_loop3A_284], %parallel_loop3A_282 {strides = array<i32>} : memref<64x128xf32, #tpu.memory_space<vmem>>, vector<16xf32>,
        %parallel_loop3A_286 = tpu.vector_load_idx %arg6[%add3A_14, %parallel_loop3A_273] : memref<128x128xf32, #tpu.memory_space<vmem>>[vector<16xi32>, vector<16xi32>], vector<16xf32>,
        %parallel_loop3A_287 = arith.index_cast %parallel_loop3A_272 : i32 to index
        %parallel_loop3A_288 = arith.constant 48 : index
        %parallel_loop3A_289 = tpu.vector_load %arg8[%parallel_loop3A_287, %parallel_loop3A_288] {strides = array<i32>} : memref<64x128xf32, #tpu.memory_space<vmem>>, vector<16xf32>,
        tpu.vector_store %arg8[%parallel_loop3A_287, %parallel_loop3A_288], %parallel_loop3A_286 {strides = array<i32>} : memref<64x128xf32, #tpu.memory_space<vmem>>, vector<16xf32>,
        %parallel_loop3A_290 = tpu.vector_load_idx %arg6[%add3A_17, %parallel_loop3A_273] : memref<128x128xf32, #tpu.memory_space<vmem>>[vector<16xi32>, vector<16xi32>], vector<16xf32>,
        %parallel_loop3A_291 = arith.index_cast %parallel_loop3A_272 : i32 to index
        %parallel_loop3A_292 = arith.constant 64 : index
        %parallel_loop3A_293 = tpu.vector_load %arg8[%parallel_loop3A_291, %parallel_loop3A_292] {strides = array<i32>} : memref<64x128xf32, #tpu.memory_space<vmem>>, vector<16xf32>,
        tpu.vector_store %arg8[%parallel_loop3A_291, %parallel_loop3A_292], %parallel_loop3A_290 {strides = array<i32>} : memref<64x128xf32, #tpu.memory_space<vmem>>, vector<16xf32>,
        %parallel_loop3A_294 = tpu.vector_load_idx %arg6[%add3A_20, %parallel_loop3A_273] : memref<128x128xf32, #tpu.memory_space<vmem>>[vector<16xi32>, vector<16xi32>], vector<16xf32>,
        %parallel_loop3A_295 = arith.index_cast %parallel_loop3A_272 : i32 to index
        %parallel_loop3A_296 = arith.constant 80 : index
        %parallel_loop3A_297 = tpu.vector_load %arg8[%parallel_loop3A_295, %parallel_loop3A_296] {strides = array<i32>} : memref<64x128xf32, #tpu.memory_space<vmem>>, vector<16xf32>,
        tpu.vector_store %arg8[%parallel_loop3A_295, %parallel_loop3A_296], %parallel_loop3A_294 {strides = array<i32>} : memref<64x128xf32, #tpu.memory_space<vmem>>, vector<16xf32>,
        %parallel_loop3A_298 = tpu.vector_load_idx %arg6[%add3A_23, %parallel_loop3A_273] : memref<128x128xf32, #tpu.memory_space<vmem>>[vector<16xi32>, vector<16xi32>], vector<16xf32>,
        %parallel_loop3A_299 = arith.index_cast %parallel_loop3A_272 : i32 to index
        %parallel_loop3A_300 = arith.constant 96 : index
        %parallel_loop3A_301 = tpu.vector_load %arg8[%parallel_loop3A_299, %parallel_loop3A_300] {strides = array<i32>} : memref<64x128xf32, #tpu.memory_space<vmem>>, vector<16xf32>,
        tpu.vector_store %arg8[%parallel_loop3A_299, %parallel_loop3A_300], %parallel_loop3A_298 {strides = array<i32>} : memref<64x128xf32, #tpu.memory_space<vmem>>, vector<16xf32>,
        %parallel_loop3A_302 = tpu.vector_load_idx %arg6[%add3A_26, %parallel_loop3A_273] : memref<128x128xf32, #tpu.memory_space<vmem>>[vector<16xi32>, vector<16xi32>], vector<16xf32>,
        %parallel_loop3A_303 = arith.index_cast %parallel_loop3A_272 : i32 to index
        %parallel_loop3A_304 = arith.constant 112 : index
        %parallel_loop3A_305 = tpu.vector_load %arg8[%parallel_loop3A_303, %parallel_loop3A_304] {strides = array<i32>} : memref<64x128xf32, #tpu.memory_space<vmem>>, vector<16xf32>,
        tpu.vector_store %arg8[%parallel_loop3A_303, %parallel_loop3A_304], %parallel_loop3A_302 {strides = array<i32>} : memref<64x128xf32, #tpu.memory_space<vmem>>, vector<16xf32>,
      } {sc.loop_unroll_factor = 8 : i64, sc.parallel_access}
      %mul3A_147 = arith.constant 200 : i32
      %mul3A_148 = arith.muli %add3A, %mul3A_147 : i32
      %add3A_149 = arith.addi %mul3A_148, %mul3A_131 : i32
      %jit3A_150 = arith.constant 128 : i32
      %div3A_151 = arith.divsi %add3A_149, %jit3A_150 : i32
      %sign3A_152 = arith.constant 0 : i32
      %sign3A_153 = arith.cmpi sgt, %add3A_149, %sign3A_152 : i32
      %sign3A_154 = arith.extui %sign3A_153 : i1 to i32
      %sign3A_155 = arith.constant 0 : i32
      %sign3A_156 = arith.cmpi slt, %add3A_149, %sign3A_155 : i32
      %sign3A_157 = arith.extui %sign3A_156 : i1 to i32
      %sign3A_158 = arith.subi %sign3A_154, %sign3A_157 : i32
      %sign3A_159 = arith.constant 0 : i32
      %sign3A_160 = arith.cmpi sgt, %jit3A_150, %sign3A_159 : i32
      %sign3A_161 = arith.extui %sign3A_160 : i1 to i32
      %sign3A_162 = arith.constant 0 : i32
      %sign3A_163 = arith.cmpi slt, %jit3A_150, %sign3A_162 : i32
      %sign3A_164 = arith.extui %sign3A_163 : i1 to i32
      %sign3A_165 = arith.subi %sign3A_161, %sign3A_164 : i32
      %ne3A_166 = arith.cmpi ne, %sign3A_158, %sign3A_165 : i32
      %rem3A_167 = arith.remsi %add3A_149, %jit3A_150 : i32
      %ne3A_168 = arith.constant 0 : i32
      %ne3A_169 = arith.cmpi ne, %rem3A_167, %ne3A_168 : i32
      %and3A_170 = arith.andi %ne3A_166, %ne3A_169 : i1
      %sub3A_171 = arith.constant 1 : i32
      %sub3A_172 = arith.subi %div3A_151, %sub3A_171 : i32
      %select_n3A_173 = arith.select %and3A_170, %sub3A_172, %div3A_151 : i32
      %jit3A_174 = arith.constant 128 : i32
      %eq3A_175 = arith.constant 0 : i32
      %eq3A_176 = arith.cmpi eq, %jit3A_174, %eq3A_175 : i32
      %jit3A_177 = arith.constant 1 : i32
      %select_n3A_178 = arith.select %eq3A_176, %jit3A_177, %jit3A_174 : i32
      %rem3A_179 = arith.remsi %add3A_149, %select_n3A_178 : i32
      %ne3A_180 = arith.constant 0 : i32
      %ne3A_181 = arith.cmpi ne, %rem3A_179, %ne3A_180 : i32
      %lt3A_182 = arith.constant 0 : i32
      %lt3A_183 = arith.cmpi slt, %rem3A_179, %lt3A_182 : i32
      %lt3A_184 = arith.constant 0 : i32
      %lt3A_185 = arith.cmpi slt, %select_n3A_178, %lt3A_184 : i32
      %ne3A_186 = arith.xori %lt3A_183, %lt3A_185 : i1
      %and3A_187 = arith.andi %ne3A_186, %ne3A_181 : i1
      %add3A_188 = arith.addi %rem3A_179, %select_n3A_178 : i32
      %select_n3A_189 = arith.select %and3A_187, %add3A_188, %rem3A_179 : i32
      %mul3A_190 = arith.constant 128 : i32
      %mul3A_191 = arith.muli %select_n3A_189, %mul3A_190 : i32
      %dma_start3A_192 = arith.constant 0 : i32
      %dma_start3A_193 = tpu.memref_slice %arg4[%select_n3A_173, %dma_start3A_192, %mul3A_191] : memref<50x64x16384xf32, #tpu.memory_space<hbm>> -> memref<1x64x128xf32, #tpu.memory_space<hbm>>
      %dma_start3A_194 = tpu.memref_squeeze %dma_start3A_193 : memref<1x64x128xf32, #tpu.memory_space<hbm>> -> memref<64x128xf32, #tpu.memory_space<hbm>>
      %dma_start3A_195 = arith.constant 0 : i32
      %dma_start3A_196 = tpu.memref_slice %arg4[%select_n3A_173, %dma_start3A_195, %mul3A_191] : memref<50x64x16384xf32, #tpu.memory_space<hbm>> -> memref<1x64x128xf32, #tpu.memory_space<hbm>>
      %dma_start3A_197 = tpu.memref_squeeze %dma_start3A_196 : memref<1x64x128xf32, #tpu.memory_space<hbm>> -> memref<64x128xf32, #tpu.memory_space<hbm>>
      tpu.enqueue_dma source(%arg8 : memref<64x128xf32, #tpu.memory_space<vmem>>) target(%dma_start3A_197 : memref<64x128xf32, #tpu.memory_space<hbm>>) target_semaphore(%arg12 : memref<!tpu.dma_semaphore, #tpu.memory_space<semaphore_mem>>)
      %add3A_198 = arith.constant 1 : i32
      %add3A_199 = arith.addi %mul3A_131, %add3A_198 : i32
      %eq3A_200 = arith.constant 99 : i32
      %eq3A_201 = arith.cmpi eq, %scan3A_129, %eq3A_200 : i32
      %not3A_202 = arith.constant true
      %not3A_203 = arith.xori %eq3A_201, %not3A_202 : i1
      %convert_element_type3A_204 = arith.extui %not3A_203 : i1 to i32
      %cond3A_205 = arith.constant 0 : i32
      %cond3A_206 = arith.cmpi ne, %convert_element_type3A_204, %cond3A_205 : i32
      scf.if %cond3A_206 {
        %add3A_272 = arith.constant 1 : i32
        %add3A_273 = arith.addi %add3A_199, %add3A_272 : i32
        %mul3A_274 = arith.constant 128 : i32
        %mul3A_275 = arith.muli %add3A_273, %mul3A_274 : i32
        %dma_start3A_276 = tpu.memref_slice %arg5[%mul3A_275] : memref<25600xi32, #tpu.memory_space<vmem>> -> memref<128xi32, #tpu.memory_space<vmem>>
        %dma_start3A_277 = arith.constant 0 : i32
        %dma_start3A_278 = arith.constant 0 : i32
        %dma_start3A_279 = tpu.memref_slice %arg3[%dma_start3A_277, %dma_start3A_278] : memref<1000000x128xf32, #tpu.memory_space<hbm>> -> memref<1000000x128xf32, #tpu.memory_space<hbm>>
        tpu.enqueue_indirect_dma source(%dma_start3A_279 : memref<1000000x128xf32, #tpu.memory_space<hbm>>) target(%arg6 : memref<128x128xf32, #tpu.memory_space<vmem>>) offsets(%dma_start3A_276 : memref<128xi32, #tpu.memory_space<vmem>>) semaphore(%arg10 : memref<!tpu.dma_semaphore, #tpu.memory_space<semaphore_mem>>)
      } else {
      }
      %mul3A_207 = arith.constant 128 : i32
      %mul3A_208 = arith.muli %add3A_199, %mul3A_207 : i32
      %dma_wait3A_209 = tpu.memref_slice %arg5[%mul3A_208] : memref<25600xi32, #tpu.memory_space<vmem>> -> memref<128xi32, #tpu.memory_space<vmem>>
      %dma_wait3A_210 = arith.constant 0 : i32
      %dma_wait3A_211 = arith.constant 0 : i32
      %dma_wait3A_212 = tpu.memref_slice %arg3[%dma_wait3A_210, %dma_wait3A_211] : memref<1000000x128xf32, #tpu.memory_space<hbm>> -> memref<1000000x128xf32, #tpu.memory_space<hbm>>
      tpu.wait_indirect_dma semaphore(%arg11 : memref<!tpu.dma_semaphore, #tpu.memory_space<semaphore_mem>>) src(%dma_wait3A_212 : memref<1000000x128xf32, #tpu.memory_space<hbm>>) dst(%arg7 : memref<128x128xf32, #tpu.memory_space<vmem>>)
      %gt3A_213 = arith.constant 0 : i32
      %gt3A_214 = arith.cmpi sgt, %scan3A_129, %gt3A_213 : i32
      %convert_element_type3A_215 = arith.extui %gt3A_214 : i1 to i32
      %cond3A_216 = arith.constant 0 : i32
      %cond3A_217 = arith.cmpi ne, %convert_element_type3A_215, %cond3A_216 : i32
      scf.if %cond3A_217 {
        %sub3A_272 = arith.constant 2 : i32
        %sub3A_273 = arith.subi %add3A_199, %sub3A_272 : i32
        %mul3A_274 = arith.constant 200 : i32
        %mul3A_275 = arith.muli %add3A, %mul3A_274 : i32
        %add3A_276 = arith.addi %mul3A_275, %sub3A_273 : i32
        %jit3A_277 = arith.constant 128 : i32
        %div3A_278 = arith.divsi %add3A_276, %jit3A_277 : i32
        %sign3A_279 = arith.constant 0 : i32
        %sign3A_280 = arith.cmpi sgt, %add3A_276, %sign3A_279 : i32
        %sign3A_281 = arith.extui %sign3A_280 : i1 to i32
        %sign3A_282 = arith.constant 0 : i32
        %sign3A_283 = arith.cmpi slt, %add3A_276, %sign3A_282 : i32
        %sign3A_284 = arith.extui %sign3A_283 : i1 to i32
        %sign3A_285 = arith.subi %sign3A_281, %sign3A_284 : i32
        %sign3A_286 = arith.constant 0 : i32
        %sign3A_287 = arith.cmpi sgt, %jit3A_277, %sign3A_286 : i32
        %sign3A_288 = arith.extui %sign3A_287 : i1 to i32
        %sign3A_289 = arith.constant 0 : i32
        %sign3A_290 = arith.cmpi slt, %jit3A_277, %sign3A_289 : i32
        %sign3A_291 = arith.extui %sign3A_290 : i1 to i32
        %sign3A_292 = arith.subi %sign3A_288, %sign3A_291 : i32
        %ne3A_293 = arith.cmpi ne, %sign3A_285, %sign3A_292 : i32
        %rem3A_294 = arith.remsi %add3A_276, %jit3A_277 : i32
        %ne3A_295 = arith.constant 0 : i32
        %ne3A_296 = arith.cmpi ne, %rem3A_294, %ne3A_295 : i32
        %and3A_297 = arith.andi %ne3A_293, %ne3A_296 : i1
        %sub3A_298 = arith.constant 1 : i32
        %sub3A_299 = arith.subi %div3A_278, %sub3A_298 : i32
        %select_n3A_300 = arith.select %and3A_297, %sub3A_299, %div3A_278 : i32
        %jit3A_301 = arith.constant 128 : i32
        %eq3A_302 = arith.constant 0 : i32
        %eq3A_303 = arith.cmpi eq, %jit3A_301, %eq3A_302 : i32
        %jit3A_304 = arith.constant 1 : i32
        %select_n3A_305 = arith.select %eq3A_303, %jit3A_304, %jit3A_301 : i32
        %rem3A_306 = arith.remsi %add3A_276, %select_n3A_305 : i32
        %ne3A_307 = arith.constant 0 : i32
        %ne3A_308 = arith.cmpi ne, %rem3A_306, %ne3A_307 : i32
        %lt3A_309 = arith.constant 0 : i32
        %lt3A_310 = arith.cmpi slt, %rem3A_306, %lt3A_309 : i32
        %lt3A_311 = arith.constant 0 : i32
        %lt3A_312 = arith.cmpi slt, %select_n3A_305, %lt3A_311 : i32
        %ne3A_313 = arith.xori %lt3A_310, %lt3A_312 : i1
        %and3A_314 = arith.andi %ne3A_313, %ne3A_308 : i1
        %add3A_315 = arith.addi %rem3A_306, %select_n3A_305 : i32
        %select_n3A_316 = arith.select %and3A_314, %add3A_315, %rem3A_306 : i32
        %mul3A_317 = arith.constant 128 : i32
        %mul3A_318 = arith.muli %select_n3A_316, %mul3A_317 : i32
        %dma_wait3A_319 = arith.constant 0 : i32
        %dma_wait3A_320 = tpu.memref_slice %arg4[%select_n3A_300, %dma_wait3A_319, %mul3A_318] : memref<50x64x16384xf32, #tpu.memory_space<hbm>> -> memref<1x64x128xf32, #tpu.memory_space<hbm>>
        %dma_wait3A_321 = tpu.memref_squeeze %dma_wait3A_320 : memref<1x64x128xf32, #tpu.memory_space<hbm>> -> memref<64x128xf32, #tpu.memory_space<hbm>>
        %dma_wait3A_322 = arith.constant 0 : i32
        %dma_wait3A_323 = tpu.memref_slice %arg4[%select_n3A_300, %dma_wait3A_322, %mul3A_318] : memref<50x64x16384xf32, #tpu.memory_space<hbm>> -> memref<1x64x128xf32, #tpu.memory_space<hbm>>
        %dma_wait3A_324 = tpu.memref_squeeze %dma_wait3A_323 : memref<1x64x128xf32, #tpu.memory_space<hbm>> -> memref<64x128xf32, #tpu.memory_space<hbm>>
        tpu.wait_dma2 semaphore(%arg13 : memref<!tpu.dma_semaphore, #tpu.memory_space<semaphore_mem>>) src(%arg9 : memref<64x128xf32, #tpu.memory_space<vmem>>) dst(%dma_wait3A_324 : memref<64x128xf32, #tpu.memory_space<hbm>>)
      } else {
      }
      %parallel_loop3A_218 = arith.constant 0 : i32
      %parallel_loop3A_219 = arith.constant 64 : i32
      %parallel_loop3A_220 = arith.constant 1 : i32
      scf.for %parallel_loop3A_272 = %parallel_loop3A_218 to %parallel_loop3A_219 step %parallel_loop3A_220  : i32 {
        %parallel_loop3A_273 = vector.broadcast %parallel_loop3A_272 : i32 to vector<16xi32>
        %parallel_loop3A_274 = tpu.vector_load_idx %arg7[%add3A_5, %parallel_loop3A_273] : memref<128x128xf32, #tpu.memory_space<vmem>>[vector<16xi32>, vector<16xi32>], vector<16xf32>,
        %parallel_loop3A_275 = arith.index_cast %parallel_loop3A_272 : i32 to index
        %parallel_loop3A_276 = arith.constant 0 : index
        %parallel_loop3A_277 = tpu.vector_load %arg9[%parallel_loop3A_275, %parallel_loop3A_276] {strides = array<i32>} : memref<64x128xf32, #tpu.memory_space<vmem>>, vector<16xf32>,
        tpu.vector_store %arg9[%parallel_loop3A_275, %parallel_loop3A_276], %parallel_loop3A_274 {strides = array<i32>} : memref<64x128xf32, #tpu.memory_space<vmem>>, vector<16xf32>,
        %parallel_loop3A_278 = tpu.vector_load_idx %arg7[%add3A_8, %parallel_loop3A_273] : memref<128x128xf32, #tpu.memory_space<vmem>>[vector<16xi32>, vector<16xi32>], vector<16xf32>,
        %parallel_loop3A_279 = arith.index_cast %parallel_loop3A_272 : i32 to index
        %parallel_loop3A_280 = arith.constant 16 : index
        %parallel_loop3A_281 = tpu.vector_load %arg9[%parallel_loop3A_279, %parallel_loop3A_280] {strides = array<i32>} : memref<64x128xf32, #tpu.memory_space<vmem>>, vector<16xf32>,
        tpu.vector_store %arg9[%parallel_loop3A_279, %parallel_loop3A_280], %parallel_loop3A_278 {strides = array<i32>} : memref<64x128xf32, #tpu.memory_space<vmem>>, vector<16xf32>,
        %parallel_loop3A_282 = tpu.vector_load_idx %arg7[%add3A_11, %parallel_loop3A_273] : memref<128x128xf32, #tpu.memory_space<vmem>>[vector<16xi32>, vector<16xi32>], vector<16xf32>,
        %parallel_loop3A_283 = arith.index_cast %parallel_loop3A_272 : i32 to index
        %parallel_loop3A_284 = arith.constant 32 : index
        %parallel_loop3A_285 = tpu.vector_load %arg9[%parallel_loop3A_283, %parallel_loop3A_284] {strides = array<i32>} : memref<64x128xf32, #tpu.memory_space<vmem>>, vector<16xf32>,
        tpu.vector_store %arg9[%parallel_loop3A_283, %parallel_loop3A_284], %parallel_loop3A_282 {strides = array<i32>} : memref<64x128xf32, #tpu.memory_space<vmem>>, vector<16xf32>,
        %parallel_loop3A_286 = tpu.vector_load_idx %arg7[%add3A_14, %parallel_loop3A_273] : memref<128x128xf32, #tpu.memory_space<vmem>>[vector<16xi32>, vector<16xi32>], vector<16xf32>,
        %parallel_loop3A_287 = arith.index_cast %parallel_loop3A_272 : i32 to index
        %parallel_loop3A_288 = arith.constant 48 : index
        %parallel_loop3A_289 = tpu.vector_load %arg9[%parallel_loop3A_287, %parallel_loop3A_288] {strides = array<i32>} : memref<64x128xf32, #tpu.memory_space<vmem>>, vector<16xf32>,
        tpu.vector_store %arg9[%parallel_loop3A_287, %parallel_loop3A_288], %parallel_loop3A_286 {strides = array<i32>} : memref<64x128xf32, #tpu.memory_space<vmem>>, vector<16xf32>,
        %parallel_loop3A_290 = tpu.vector_load_idx %arg7[%add3A_17, %parallel_loop3A_273] : memref<128x128xf32, #tpu.memory_space<vmem>>[vector<16xi32>, vector<16xi32>], vector<16xf32>,
        %parallel_loop3A_291 = arith.index_cast %parallel_loop3A_272 : i32 to index
        %parallel_loop3A_292 = arith.constant 64 : index
        %parallel_loop3A_293 = tpu.vector_load %arg9[%parallel_loop3A_291, %parallel_loop3A_292] {strides = array<i32>} : memref<64x128xf32, #tpu.memory_space<vmem>>, vector<16xf32>,
        tpu.vector_store %arg9[%parallel_loop3A_291, %parallel_loop3A_292], %parallel_loop3A_290 {strides = array<i32>} : memref<64x128xf32, #tpu.memory_space<vmem>>, vector<16xf32>,
        %parallel_loop3A_294 = tpu.vector_load_idx %arg7[%add3A_20, %parallel_loop3A_273] : memref<128x128xf32, #tpu.memory_space<vmem>>[vector<16xi32>, vector<16xi32>], vector<16xf32>,
        %parallel_loop3A_295 = arith.index_cast %parallel_loop3A_272 : i32 to index
        %parallel_loop3A_296 = arith.constant 80 : index
        %parallel_loop3A_297 = tpu.vector_load %arg9[%parallel_loop3A_295, %parallel_loop3A_296] {strides = array<i32>} : memref<64x128xf32, #tpu.memory_space<vmem>>, vector<16xf32>,
        tpu.vector_store %arg9[%parallel_loop3A_295, %parallel_loop3A_296], %parallel_loop3A_294 {strides = array<i32>} : memref<64x128xf32, #tpu.memory_space<vmem>>, vector<16xf32>,
        %parallel_loop3A_298 = tpu.vector_load_idx %arg7[%add3A_23, %parallel_loop3A_273] : memref<128x128xf32, #tpu.memory_space<vmem>>[vector<16xi32>, vector<16xi32>], vector<16xf32>,
        %parallel_loop3A_299 = arith.index_cast %parallel_loop3A_272 : i32 to index
        %parallel_loop3A_300 = arith.constant 96 : index
        %parallel_loop3A_301 = tpu.vector_load %arg9[%parallel_loop3A_299, %parallel_loop3A_300] {strides = array<i32>} : memref<64x128xf32, #tpu.memory_space<vmem>>, vector<16xf32>,
        tpu.vector_store %arg9[%parallel_loop3A_299, %parallel_loop3A_300], %parallel_loop3A_298 {strides = array<i32>} : memref<64x128xf32, #tpu.memory_space<vmem>>, vector<16xf32>,
        %parallel_loop3A_302 = tpu.vector_load_idx %arg7[%add3A_26, %parallel_loop3A_273] : memref<128x128xf32, #tpu.memory_space<vmem>>[vector<16xi32>, vector<16xi32>], vector<16xf32>,
        %parallel_loop3A_303 = arith.index_cast %parallel_loop3A_272 : i32 to index
        %parallel_loop3A_304 = arith.constant 112 : index
        %parallel_loop3A_305 = tpu.vector_load %arg9[%parallel_loop3A_303, %parallel_loop3A_304] {strides = array<i32>} : memref<64x128xf32, #tpu.memory_space<vmem>>, vector<16xf32>,
        tpu.vector_store %arg9[%parallel_loop3A_303, %parallel_loop3A_304], %parallel_loop3A_302 {strides = array<i32>} : memref<64x128xf32, #tpu.memory_space<vmem>>, vector<16xf32>,
      } {sc.loop_unroll_factor = 8 : i64, sc.parallel_access}
      %mul3A_221 = arith.constant 200 : i32
      %mul3A_222 = arith.muli %add3A, %mul3A_221 : i32
      %add3A_223 = arith.addi %mul3A_222, %add3A_199 : i32
      %jit3A_224 = arith.constant 128 : i32
      %div3A_225 = arith.divsi %add3A_223, %jit3A_224 : i32
      %sign3A_226 = arith.constant 0 : i32
      %sign3A_227 = arith.cmpi sgt, %add3A_223, %sign3A_226 : i32
      %sign3A_228 = arith.extui %sign3A_227 : i1 to i32
      %sign3A_229 = arith.constant 0 : i32
      %sign3A_230 = arith.cmpi slt, %add3A_223, %sign3A_229 : i32
      %sign3A_231 = arith.extui %sign3A_230 : i1 to i32
      %sign3A_232 = arith.subi %sign3A_228, %sign3A_231 : i32
      %sign3A_233 = arith.constant 0 : i32
      %sign3A_234 = arith.cmpi sgt, %jit3A_224, %sign3A_233 : i32
      %sign3A_235 = arith.extui %sign3A_234 : i1 to i32
      %sign3A_236 = arith.constant 0 : i32
      %sign3A_237 = arith.cmpi slt, %jit3A_224, %sign3A_236 : i32
      %sign3A_238 = arith.extui %sign3A_237 : i1 to i32
      %sign3A_239 = arith.subi %sign3A_235, %sign3A_238 : i32
      %ne3A_240 = arith.cmpi ne, %sign3A_232, %sign3A_239 : i32
      %rem3A_241 = arith.remsi %add3A_223, %jit3A_224 : i32
      %ne3A_242 = arith.constant 0 : i32
      %ne3A_243 = arith.cmpi ne, %rem3A_241, %ne3A_242 : i32
      %and3A_244 = arith.andi %ne3A_240, %ne3A_243 : i1
      %sub3A_245 = arith.constant 1 : i32
      %sub3A_246 = arith.subi %div3A_225, %sub3A_245 : i32
      %select_n3A_247 = arith.select %and3A_244, %sub3A_246, %div3A_225 : i32
      %jit3A_248 = arith.constant 128 : i32
      %eq3A_249 = arith.constant 0 : i32
      %eq3A_250 = arith.cmpi eq, %jit3A_248, %eq3A_249 : i32
      %jit3A_251 = arith.constant 1 : i32
      %select_n3A_252 = arith.select %eq3A_250, %jit3A_251, %jit3A_248 : i32
      %rem3A_253 = arith.remsi %add3A_223, %select_n3A_252 : i32
      %ne3A_254 = arith.constant 0 : i32
      %ne3A_255 = arith.cmpi ne, %rem3A_253, %ne3A_254 : i32
      %lt3A_256 = arith.constant 0 : i32
      %lt3A_257 = arith.cmpi slt, %rem3A_253, %lt3A_256 : i32
      %lt3A_258 = arith.constant 0 : i32
      %lt3A_259 = arith.cmpi slt, %select_n3A_252, %lt3A_258 : i32
      %ne3A_260 = arith.xori %lt3A_257, %lt3A_259 : i1
      %and3A_261 = arith.andi %ne3A_260, %ne3A_255 : i1
      %add3A_262 = arith.addi %rem3A_253, %select_n3A_252 : i32
      %select_n3A_263 = arith.select %and3A_261, %add3A_262, %rem3A_253 : i32
      %mul3A_264 = arith.constant 128 : i32
      %mul3A_265 = arith.muli %select_n3A_263, %mul3A_264 : i32
      %dma_start3A_266 = arith.constant 0 : i32
      %dma_start3A_267 = tpu.memref_slice %arg4[%select_n3A_247, %dma_start3A_266, %mul3A_265] : memref<50x64x16384xf32, #tpu.memory_space<hbm>> -> memref<1x64x128xf32, #tpu.memory_space<hbm>>
      %dma_start3A_268 = tpu.memref_squeeze %dma_start3A_267 : memref<1x64x128xf32, #tpu.memory_space<hbm>> -> memref<64x128xf32, #tpu.memory_space<hbm>>
      %dma_start3A_269 = arith.constant 0 : i32
      %dma_start3A_270 = tpu.memref_slice %arg4[%select_n3A_247, %dma_start3A_269, %mul3A_265] : memref<50x64x16384xf32, #tpu.memory_space<hbm>> -> memref<1x64x128xf32, #tpu.memory_space<hbm>>
      %dma_start3A_271 = tpu.memref_squeeze %dma_start3A_270 : memref<1x64x128xf32, #tpu.memory_space<hbm>> -> memref<64x128xf32, #tpu.memory_space<hbm>>
      tpu.enqueue_dma source(%arg9 : memref<64x128xf32, #tpu.memory_space<vmem>>) target(%dma_start3A_271 : memref<64x128xf32, #tpu.memory_space<hbm>>) target_semaphore(%arg13 : memref<!tpu.dma_semaphore, #tpu.memory_space<semaphore_mem>>)
    }
    %scan3A_35 = arith.constant 100 : i32
    %mul3A_36 = arith.constant 200 : i32
    %mul3A_37 = arith.muli %add3A, %mul3A_36 : i32
    %add3A_38 = arith.constant 198 : i32
    %add3A_39 = arith.addi %mul3A_37, %add3A_38 : i32
    %jit3A = arith.constant 128 : i32
    %div3A = arith.divsi %add3A_39, %jit3A : i32
    %sign3A = arith.constant 0 : i32
    %sign3A_40 = arith.cmpi sgt, %add3A_39, %sign3A : i32
    %sign3A_41 = arith.extui %sign3A_40 : i1 to i32
    %sign3A_42 = arith.constant 0 : i32
    %sign3A_43 = arith.cmpi slt, %add3A_39, %sign3A_42 : i32
    %sign3A_44 = arith.extui %sign3A_43 : i1 to i32
    %sign3A_45 = arith.subi %sign3A_41, %sign3A_44 : i32
    %sign3A_46 = arith.constant 0 : i32
    %sign3A_47 = arith.cmpi sgt, %jit3A, %sign3A_46 : i32
    %sign3A_48 = arith.extui %sign3A_47 : i1 to i32
    %sign3A_49 = arith.constant 0 : i32
    %sign3A_50 = arith.cmpi slt, %jit3A, %sign3A_49 : i32
    %sign3A_51 = arith.extui %sign3A_50 : i1 to i32
    %sign3A_52 = arith.subi %sign3A_48, %sign3A_51 : i32
    %ne3A = arith.cmpi ne, %sign3A_45, %sign3A_52 : i32
    %rem3A = arith.remsi %add3A_39, %jit3A : i32
    %ne3A_53 = arith.constant 0 : i32
    %ne3A_54 = arith.cmpi ne, %rem3A, %ne3A_53 : i32
    %and3A = arith.andi %ne3A, %ne3A_54 : i1
    %sub3A = arith.constant 1 : i32
    %sub3A_55 = arith.subi %div3A, %sub3A : i32
    %select_n3A = arith.select %and3A, %sub3A_55, %div3A : i32
    %jit3A_56 = arith.constant 128 : i32
    %eq3A = arith.constant 0 : i32
    %eq3A_57 = arith.cmpi eq, %jit3A_56, %eq3A : i32
    %jit3A_58 = arith.constant 1 : i32
    %select_n3A_59 = arith.select %eq3A_57, %jit3A_58, %jit3A_56 : i32
    %rem3A_60 = arith.remsi %add3A_39, %select_n3A_59 : i32
    %ne3A_61 = arith.constant 0 : i32
    %ne3A_62 = arith.cmpi ne, %rem3A_60, %ne3A_61 : i32
    %lt3A = arith.constant 0 : i32
    %lt3A_63 = arith.cmpi slt, %rem3A_60, %lt3A : i32
    %lt3A_64 = arith.constant 0 : i32
    %lt3A_65 = arith.cmpi slt, %select_n3A_59, %lt3A_64 : i32
    %ne3A_66 = arith.xori %lt3A_63, %lt3A_65 : i1
    %and3A_67 = arith.andi %ne3A_66, %ne3A_62 : i1
    %add3A_68 = arith.addi %rem3A_60, %select_n3A_59 : i32
    %select_n3A_69 = arith.select %and3A_67, %add3A_68, %rem3A_60 : i32
    %mul3A_70 = arith.constant 128 : i32
    %mul3A_71 = arith.muli %select_n3A_69, %mul3A_70 : i32
    %dma_wait3A = arith.constant 0 : i32
    %dma_wait3A_72 = tpu.memref_slice %arg4[%select_n3A, %dma_wait3A, %mul3A_71] : memref<50x64x16384xf32, #tpu.memory_space<hbm>> -> memref<1x64x128xf32, #tpu.memory_space<hbm>>
    %dma_wait3A_73 = tpu.memref_squeeze %dma_wait3A_72 : memref<1x64x128xf32, #tpu.memory_space<hbm>> -> memref<64x128xf32, #tpu.memory_space<hbm>>
    %dma_wait3A_74 = arith.constant 0 : i32
    %dma_wait3A_75 = tpu.memref_slice %arg4[%select_n3A, %dma_wait3A_74, %mul3A_71] : memref<50x64x16384xf32, #tpu.memory_space<hbm>> -> memref<1x64x128xf32, #tpu.memory_space<hbm>>
    %dma_wait3A_76 = tpu.memref_squeeze %dma_wait3A_75 : memref<1x64x128xf32, #tpu.memory_space<hbm>> -> memref<64x128xf32, #tpu.memory_space<hbm>>
    tpu.wait_dma2 semaphore(%arg12 : memref<!tpu.dma_semaphore, #tpu.memory_space<semaphore_mem>>) src(%arg8 : memref<64x128xf32, #tpu.memory_space<vmem>>) dst(%dma_wait3A_76 : memref<64x128xf32, #tpu.memory_space<hbm>>)
    %mul3A_77 = arith.constant 200 : i32
    %mul3A_78 = arith.muli %add3A, %mul3A_77 : i32
    %add3A_79 = arith.constant 199 : i32
    %add3A_80 = arith.addi %mul3A_78, %add3A_79 : i32
    %jit3A_81 = arith.constant 128 : i32
    %div3A_82 = arith.divsi %add3A_80, %jit3A_81 : i32
    %sign3A_83 = arith.constant 0 : i32
    %sign3A_84 = arith.cmpi sgt, %add3A_80, %sign3A_83 : i32
    %sign3A_85 = arith.extui %sign3A_84 : i1 to i32
    %sign3A_86 = arith.constant 0 : i32
    %sign3A_87 = arith.cmpi slt, %add3A_80, %sign3A_86 : i32
    %sign3A_88 = arith.extui %sign3A_87 : i1 to i32
    %sign3A_89 = arith.subi %sign3A_85, %sign3A_88 : i32
    %sign3A_90 = arith.constant 0 : i32
    %sign3A_91 = arith.cmpi sgt, %jit3A_81, %sign3A_90 : i32
    %sign3A_92 = arith.extui %sign3A_91 : i1 to i32
    %sign3A_93 = arith.constant 0 : i32
    %sign3A_94 = arith.cmpi slt, %jit3A_81, %sign3A_93 : i32
    %sign3A_95 = arith.extui %sign3A_94 : i1 to i32
    %sign3A_96 = arith.subi %sign3A_92, %sign3A_95 : i32
    %ne3A_97 = arith.cmpi ne, %sign3A_89, %sign3A_96 : i32
    %rem3A_98 = arith.remsi %add3A_80, %jit3A_81 : i32
    %ne3A_99 = arith.constant 0 : i32
    %ne3A_100 = arith.cmpi ne, %rem3A_98, %ne3A_99 : i32
    %and3A_101 = arith.andi %ne3A_97, %ne3A_100 : i1
    %sub3A_102 = arith.constant 1 : i32
    %sub3A_103 = arith.subi %div3A_82, %sub3A_102 : i32
    %select_n3A_104 = arith.select %and3A_101, %sub3A_103, %div3A_82 : i32
    %jit3A_105 = arith.constant 128 : i32
    %eq3A_106 = arith.constant 0 : i32
    %eq3A_107 = arith.cmpi eq, %jit3A_105, %eq3A_106 : i32
    %jit3A_108 = arith.constant 1 : i32
    %select_n3A_109 = arith.select %eq3A_107, %jit3A_108, %jit3A_105 : i32
    %rem3A_110 = arith.remsi %add3A_80, %select_n3A_109 : i32
    %ne3A_111 = arith.constant 0 : i32
    %ne3A_112 = arith.cmpi ne, %rem3A_110, %ne3A_111 : i32
    %lt3A_113 = arith.constant 0 : i32
    %lt3A_114 = arith.cmpi slt, %rem3A_110, %lt3A_113 : i32
    %lt3A_115 = arith.constant 0 : i32
    %lt3A_116 = arith.cmpi slt, %select_n3A_109, %lt3A_115 : i32
    %ne3A_117 = arith.xori %lt3A_114, %lt3A_116 : i1
    %and3A_118 = arith.andi %ne3A_117, %ne3A_112 : i1
    %add3A_119 = arith.addi %rem3A_110, %select_n3A_109 : i32
    %select_n3A_120 = arith.select %and3A_118, %add3A_119, %rem3A_110 : i32
    %mul3A_121 = arith.constant 128 : i32
    %mul3A_122 = arith.muli %select_n3A_120, %mul3A_121 : i32
    %dma_wait3A_123 = arith.constant 0 : i32
    %dma_wait3A_124 = tpu.memref_slice %arg4[%select_n3A_104, %dma_wait3A_123, %mul3A_122] : memref<50x64x16384xf32, #tpu.memory_space<hbm>> -> memref<1x64x128xf32, #tpu.memory_space<hbm>>
    %dma_wait3A_125 = tpu.memref_squeeze %dma_wait3A_124 : memref<1x64x128xf32, #tpu.memory_space<hbm>> -> memref<64x128xf32, #tpu.memory_space<hbm>>
    %dma_wait3A_126 = arith.constant 0 : i32
    %dma_wait3A_127 = tpu.memref_slice %arg4[%select_n3A_104, %dma_wait3A_126, %mul3A_122] : memref<50x64x16384xf32, #tpu.memory_space<hbm>> -> memref<1x64x128xf32, #tpu.memory_space<hbm>>
    %dma_wait3A_128 = tpu.memref_squeeze %dma_wait3A_127 : memref<1x64x128xf32, #tpu.memory_space<hbm>> -> memref<64x128xf32, #tpu.memory_space<hbm>>
    tpu.wait_dma2 semaphore(%arg13 : memref<!tpu.dma_semaphore, #tpu.memory_space<semaphore_mem>>) src(%arg9 : memref<64x128xf32, #tpu.memory_space<vmem>>) dst(%dma_wait3A_128 : memref<64x128xf32, #tpu.memory_space<hbm>>)
    return
  }
}

</mosaic_0001>

<sc_bundles>
// kernel: kernel.3.cloned.1.call-start
scs
__scs_entry_jumppad:
0x0: {  	(pc) =	sbr.rel $0x88, $3  }
0x1: {  	(tag) =	ssettag $0x0;
	lr =	simm.s32 $0x1  }
0x2: {  	[smem:$0x3F9F] =	sst lr;
	_ =	strace $0xD0000000  }
0x3: {  	_ = 	snop  }
0x4: {  	_ = 	snop  }
0x5: {  	_ = 	snop  }
0x6: {  	_ = 	snop  }
0x7: {  	_ = 	snop  }
__scs_overlays_trampoline_lowered:
0x8: {  	[smem:$0x3FAE] =	sst s0  }
0x9: {  	[smem:$0x3FAF] =	sst s1  }
0xa: {  	[smem:$0x3FB0] =	sst s2  }
0xb: {  	[smem:$0x3FB1] =	sst s3  }
0xc: {  	[smem:$0x3FB2] =	sst s4  }
0xd: {  	[smem:$0x3FB3] =	sst s5  }
0xe: {  	[smem:$0x3FB4] =	sst s6  }
0xf: {  	[smem:$0x3FB5] =	sst s7  }
0x10: {  	[smem:$0x3FB6] =	sst s8  }
0x11: {  	[smem:$0x3FB7] =	sst s9;
	s0 =	simm.s32 @!p0 $0x0  }
0x12: {  	s1 =	sld [smem:$0x3F9D];
	s0 =	simm.s32 @p0 $0x1  }
0x13: {  	[smem:$0x3FB8] =	sst s0;
	s0 =	simm.s32 @!p1 $0x0  }
0x14: {  	s2 =	sld [smem:$0x3F9C];
	s0 =	simm.s32 @p1 $0x1  }
0x15: {  	[smem:$0x3FB9] =	sst s0;
	s0 =	simm.s32 @!p2 $0x0  }
0x16: {  	s3 =	sld [smem:$0x3FDB];
	s0 =	simm.s32 @p2 $0x1  }
0x17: {  	s4 =	simm.s32 $0x1BF5;
	[smem:$0x3FBB] =	sst s0  }
0x18: {  	s0 =	sld [smem:$0x3F9E];
	_ =	swait.ge [sflag:s4], $0x0  }
0x19: {  	s7 =	sld [smem:$0x3F9F]  }
0x1a: {  	s8 =	sadd.s32 $0xFFFFE003, lr  }
0x1b: {  	s9 =	sadd.s32 $0xFFFFFEF7, lr;
	s5 =	simm.s32 $0xFFFFFFFF;
	p2 =	slt.u32 s8, $0xFFFFF086  }
0x1c: {  	p1 =	slt.u32 s9, $0xF7A;
	s5 =	simm.s32 @!p2 $0x0  }
0x1d: {  	s5 =	simm.s32 @p1 $0x1;
	p0 =	seq.s32 s7, s2  }
0x1e: {  	s7 =	smul.u32 @!p0 $0xF7A, s2;
	p2 =	seq.s32 @!p0 s5, $0x0  }
0x1f: {  	s9 =	smul.u32 $0xF7A, s1;
	s8 =	simm.s32 @!p0 $0x1BF5;
	p2 =	por !p2, p0  }
0x20: {  	[sflag:s8] =	ssyncset.s32 @!p0 $0xFFFFF086;
	s6 =	sadd.s32 @!p0 s3, s7;
	s7 =	simm.s32 @!p0 $0x108  }
0x21: {  	s3 =	sadd.s32 s3, s9;
	s6 =	sadd.s32 @!p0 $0x88, s6;
	s7 =	simm.s32 @p2 $0x1082  }
0x22: {  	[simem:s7], [sflag:s8] =	dma.local @!p0 [hbm:s6], $0xF7A  }
0x23: {  	s9 =	sor.u32 $0xD0000000, s2;
	s6 =	simm.s32 $0x108;
	_ =	swait.ge @!p0 [sflag:s8], $0x0  }
0x24: {  	s3 =	sadd.s32 $0x88, s3;
	s6 =	simm.s32 @!p1 $0x1082;
	[sflag:s4] =	ssyncset.s32 $0xFFFFF086  }
0x25: {  	[simem:s6], [sflag:s4] =	dma.local [hbm:s3], $0xF7A  }
0x26: {  	[smem:$0x3F9F] =	sst s1;
	(tag) =	ssettag s2;
	_ =	strace s9  }
0x27: {  	s1 =	sld [smem:$0x3FAF]  }
0x28: {  	s2 =	sld [smem:$0x3FB0]  }
0x29: {  	s4 =	sld [smem:$0x3FB2]  }
0x2a: {  	p0 =	seq.s32 s5, $0x0;
	s5 =	sld [smem:$0x3FB3]  }
0x2b: {  	s6 =	sld [smem:$0x3FB4]  }
0x2c: {  	s7 =	sld [smem:$0x3FB5]  }
0x2d: {  	s3 =	simm.s32 $0x108;
	s8 =	sld [smem:$0x3FB6]  }
0x2e: {  	s3 =	simm.s32 @!p0 $0x1082;
	s9 =	sld [smem:$0x3FB7]  }
0x2f: {  	lr =	sadd.s32 s0, s3;
	s0 =	sld [smem:$0x3FAE]  }
0x30: {  	s3 =	sld [smem:$0x3FB1]  }
0x31: {  	[smem:$0x3FBA] =	sst s10  }
0x32: {  	s10 =	sld [smem:$0x3FB8];
	_ =	sdelay $0x3  }
0x33: {  	p0 =	seq.s32 s10, $0x1;
	s10 =	sld [smem:$0x3FBA];
	_ =	sdelay $0x3  }
0x34: {  	[smem:$0x3FBA] =	sst s10  }
0x35: {  	s10 =	sld [smem:$0x3FB9];
	_ =	sdelay $0x3  }
0x36: {  	p1 =	seq.s32 s10, $0x1;
	s10 =	sld [smem:$0x3FBA];
	_ =	sdelay $0x3  }
0x37: {  	[smem:$0x3FBA] =	sst s10  }
0x38: {  	s10 =	sld [smem:$0x3FBB]  }
0x39: {  	_ = 	snop;
	(pc) =	sbr.ind lr, $3  }
0x3a: {  	_ = 	snop  }
0x3b: {  	_ = 	snop  }
0x3c: {  	p2 =	seq.s32 s10, $0x1;
	s10 =	sld [smem:$0x3FBA]  }
0x3d: {  	_ =	shalt  }
0x3e: {  	_ =	shalt  }
0x3f: {  	_ =	shalt  }
0x40: {  	_ =	shalt  }
0x41: {  	_ =	shalt  }
0x42: {  	_ =	shalt  }
0x43: {  	_ =	shalt  }
0x44: {  	_ =	shalt  }
0x45: {  	_ =	shalt  }
0x46: {  	_ =	shalt  }
0x47: {  	_ =	shalt  }
0x48: {  	_ =	shalt  }
0x49: {  	_ =	shalt  }
0x4a: {  	_ =	shalt  }
0x4b: {  	_ =	shalt  }
0x4c: {  	_ =	shalt  }
0x4d: {  	_ =	shalt  }
0x4e: {  	_ =	shalt  }
0x4f: {  	_ =	shalt  }
0x50: {  	_ =	shalt  }
0x51: {  	_ =	shalt  }
0x52: {  	_ =	shalt  }
0x53: {  	_ =	shalt  }
0x54: {  	_ =	shalt  }
0x55: {  	_ =	shalt  }
0x56: {  	_ =	shalt  }
0x57: {  	_ =	shalt  }
0x58: {  	_ =	shalt  }
0x59: {  	_ =	shalt  }
0x5a: {  	_ =	shalt  }
0x5b: {  	_ =	shalt  }
0x5c: {  	_ =	shalt  }
0x5d: {  	_ =	shalt  }
0x5e: {  	_ =	shalt  }
0x5f: {  	_ =	shalt  }
0x60: {  	_ =	shalt  }
0x61: {  	_ =	shalt  }
0x62: {  	_ =	shalt  }
0x63: {  	_ =	shalt  }
0x64: {  	_ =	shalt  }
0x65: {  	_ =	shalt  }
0x66: {  	_ =	shalt  }
0x67: {  	_ =	shalt  }
0x68: {  	_ =	shalt  }
0x69: {  	_ =	shalt  }
0x6a: {  	_ =	shalt  }
0x6b: {  	_ =	shalt  }
0x6c: {  	_ =	shalt  }
0x6d: {  	_ =	shalt  }
0x6e: {  	_ =	shalt  }
0x6f: {  	_ =	shalt  }
0x70: {  	_ =	shalt  }
0x71: {  	_ =	shalt  }
0x72: {  	_ =	shalt  }
0x73: {  	_ =	shalt  }
0x74: {  	_ =	shalt  }
0x75: {  	_ =	shalt  }
0x76: {  	_ =	shalt  }
0x77: {  	_ =	shalt  }
0x78: {  	_ =	shalt  }
0x79: {  	_ =	shalt  }
0x7a: {  	_ =	shalt  }
0x7b: {  	_ =	shalt  }
0x7c: {  	_ =	shalt  }
0x7d: {  	_ =	shalt  }
0x7e: {  	_ =	shalt  }
0x7f: {  	_ =	shalt  }
0x80: {  	_ =	shalt  }
0x81: {  	_ =	shalt  }
0x82: {  	_ =	shalt  }
0x83: {  	_ =	shalt  }
0x84: {  	_ =	shalt  }
0x85: {  	_ =	shalt  }
0x86: {  	_ =	shalt  }
0x87: {  	_ =	shalt  }
.Lfunc_end0:
.L_simem_size_0:
called_computation_lowered:
.L_overlay_start_0:
0x88: {  	s2 =	sld [smem:$0x3FD9]  }
0x89: {  	s3 =	sld [smem:$0x3FFE];
	_ =	sdelay $0x1  }
0x8a: {  	s1 =	srdreg.scid  }
0x8b: {  	s0 =	sand.u32 $0x1, s1  }
0x8c: {  	s17 =	sshll.u32 s0, $0xA;
	s2 =	sadd.s32 s3, s2  }
0x8d: {  	s2 =	sadd.s32 s2, s17  }
0x8e: {  	[smem:$0x3FC6] =	sst s2  }
0x8f: {  	_ = 	snop  }
0x90: {  	s2 =	sld [smem:$0x3FD0];
	(tm) =	ssettm $0x1  }
0x91: {  	s18 =	sld [smem:$0x3FFB];
	_ =	sdelay $0x3  }
0x92: {  	_ =	strace s18  }
0x93: {  	s3 =	sld [smem:$0x3FFC];
	_ =	sdelay $0x3  }
0x94: {  	_ =	strace s3  }
0x95: {  	s3 =	sld [smem:$0x3FFD];
	_ =	sdelay $0x3  }
0x96: {  	_ =	strace s3  }
0x97: {  	_ =	strace $0x8FFFFFFF  }
0x98: {  	s19 =	sld [smem:$0x3FDB];
	_ =	sdelay $0x1  }
0x99: {  	s4 =	simm.s32 $_scs_section_size  }
0x9a: {  	s5 =	simm.s32 $_size__tile_overlayer_lowered;
	s6 =	simm.s32 $_tile_overlayer_lowered  }
0x9b: {  	s22 =	simm.s32 $0x1BFF;
	s21 =	sshll.u32 s6, $0x1;
	s3 =	sadd.s32 s4, s19  }
0x9c: {  	s7 =	simm.s32 $0x0;
	s20 =	sshll.u32 s5, $0x1;
	s5 =	sadd.s32 s21, s3  }
0x9d: {  	[timem:s7], [sflag:s22] =	dma.local [hbm:s5], s20  }
0x9e: {  	_ =	swait.ge [sflag:s22], s20  }
0x9f: {  	s4 =	ssub.s32 $0x0, s20;
	[sflag:s22] =	ssyncset.done $0x0  }
0xa0: {  	[sflag:s22] =	ssyncadd.s32 s4;
	_ =	sdelay $0x1  }
0xa1: {  	s23 =	simm.s32 $0x1B8B  }
0xa2: {  	_ =	swait.ge [sflag:s23], $0x1  }
0xa3: {  	[sflag:s23] =	ssyncset.done $0x0  }
0xa4: {  	s25 =	simm.s32 $0x1B8E;
	s24 =	sld [smem:$0x3FFE];
	[sflag:s23] =	ssyncadd.s32 $0xFFFFFFFF  }
0xa5: {  	s26 =	simm.s32 $execute0_lowered;
	[smem:$0x3FD2] =	sst s25  }
0xa6: {  	s5 =	sshll.u32 s26, $0x1;
	_ =	strace $0x80000046;
	[dreg:$0x1] =	wrdreg $0xFFFFFFFF  }
0xa7: {  	s28 =	simm.s32 $_size_execute0_lowered;
	s3 =	sadd.s32 s3, s5;
	[dreg:$0x0] =	wrdreg $0x0  }
0xa8: {  	s5 =	sshll.u32 s28, $0x1;
	[dreg:$0x2] =	wrdreg s3  }
0xa9: {  	[dreg:$0x3] =	wrdreg s5  }
0xaa: {  	[dreg:$0x4] =	wrdreg $0xC0  }
0xab: {  	_ =	task [dreg:s7], $0x5FFFF  }
0xac: {  	[dreg:$0x1] =	wrdreg $0xFFFFFFFF  }
0xad: {  	[dreg:$0x0] =	wrdreg $0x60  }
0xae: {  	[dreg:$0x2] =	wrdreg s24  }
0xaf: {  	[dreg:$0x3] =	wrdreg s2  }
0xb0: {  	[dreg:$0x4] =	wrdreg $0x9  }
0xb1: {  	_ =	task.clear_ibuf [dreg:s7], $0x5FFFF;
	_ =	strace $0x90000046  }
0xb2: {  	s29 =	simm.s32 $0x9;
	_ =	strace $0x80000048  }
0xb3: {  	_ =	swait.ge [sflag:s29], $0x1  }
0xb4: {  	[sflag:s29] =	ssyncadd.s32 $0xFFFFFFFF  }
0xb5: {  	_ =	strace $0x90000048  }
0xb6: {  	_ =	sfence  }
0xb7: {  	s30 =	sld [smem:$0x0];
	_ =	sdelay $0x2  }
0xb8: {  	s31 =	sshll.u32 s1, $0xD;
	s1 =	sshrl.u32 s1, $0x2  }
0xb9: {  	s3 =	sand.u32 $0x4000, s31;
	s1 =	sadd.s32 s1, s30  }
0xba: {  	s0 =	sor.u32 s3, s0;
	s1 =	sshll.u32 s1, $0x11  }
0xbb: {  	s0 =	sor.u32 s1, s0  }
0xbc: {  	s0 =	sadd.s32 $0x8F2B, s0  }
0xbd: {  	[sflag:s0] =	ssyncadd.remote.s32 $0x1  }
0xbe: {  	_ =	sfence.sel $0xFFFF  }
0xbf: {  	[dreg:$0x0] =	wrdreg $0xFFFFFFFF;
	(pc) =	sbr.abs _section_cstart, $3  }
0xc0: {  	[dreg:$0x1] =	wrdreg $0xFFFFFFFF  }
0xc1: {  	_ =	task.clear_ibuf [dreg:s7], $0x2FFFF;
	_ =	strace $0x9FFFFFFF  }
0xc2: {  	(tm) =	ssettm $0x7FFFFFFF  }
0xc3: {  	_ =	shalt  }
tec
execute0_lowered:
.L_overlay_start_1:
0x0: {  	(tag) =	ssettag $0x1  }
0x1: {  	s1 =	srdreg.scid  }
0x2: {  	s0 =	stileid.u32;
	s4 =	rddreg [dreg:$0x0]  }
0x3: {  	s2 =	rddreg [dreg:$0x1];
	s3 =	simm.s32 $0x0;
	s9 =	simm.s32 $0x80  }
0x4: {  	s10 =	simm.s32 $0x6400;
	s11 =	simm.s32 $0xA400;
	s12 =	simm.s32 $0x1  }
0x5: {  	s13 =	simm.s32 $0x400;
	s14 =	simm.s32 $0x20000;
	s15 =	simm.s32 $0xE400  }
0x6: {  	s16 =	simm.s32 $0x2;
	s17 =	simm.s32 $0x4;
	s18 =	simm.s32 $0x10400  }
0x7: {  	v0 =	vlaneseq.u32;
	s19 =	simm.s32 $0x3;
	s5 =	sand.u32 $0x1, s1;
	s31 =	sshll.u32 s0, $0x1  }
0x8: {  	s20 =	simm.s32 $0x0;
	s1 =	rddreg [dreg:$0x2];
	v0 =	vmul.u32 $0x80, v0;
	s6 =	sor.u32 s5, s31  }
0x9: {  	[smem:$0x7FF] =	sst s3;
	s5 =	ssub.s32 $0x2, s5;
	s7 =	smul.u32 $0xC80, s6  }
0xa: {  	_ =	strace $0x80000047;
	s8 =	sshrl.u32 s5, $0x1;
	s6 =	smul.u32 $0xC8, s6;
	v1 =	vor.u32 $0x800, v0  }
0xb: {  	v2 =	vor.u32 $0x1000, v0;
	v3 =	vor.u32 $0x1800, v0;
	v4 =	vor.u32 $0x2000, v0;
	s8 =	ssub.s32 s5, s8;
	s7 =	sadd.s32 s7, s4;
	s4 =	sadd.s32 $0xF5BA00, s4  }
0xc: {  	v5 =	vor.u32 $0x2800, v0;
	v6 =	vor.u32 $0x3000, v0;
	v7 =	vor.u32 $0x3800, v0;
	s5 =	sadd.s32 $0xF42A00, s7;
	s7 =	smax.u32 s8, $0x1;
	s8 =	simm.s32 $0x5  }
.LBB2_1:
0xd: {  	[tilespmem:s3], [sflag:$0x5] =	stream.linear.gather [hbm4b:s5+s3], $0x6400, $0x38;
	[tilespmem:$0x12400] =	vst v63  }
0xe: {  	_ =	swait.ge [sflag:s8], $0x6400  }
0xf: {  	[sflag:s8] =	ssyncset.done $0x0  }
0x10: {  	s21 =	simm.s32 $0x0;
	[sflag:s8] =	ssyncadd.s32 $0xFFFF9C00  }
0x11: {  	[tilespmem:s10], [sflag:$0x1] =	stream.indirect.gather [hbm4b:s4+s9], $0x80, s3, s9, $0xb8;
	[tilespmem:$0x12400] =	vst v63  }
.LBB2_2:
0x12: {  	s23 =	simm.s32 $0x0;
	s22 =	sshllo.u32 s21, $0x1  }
0x13: {  	s26 =	simm.s32 $0x1;
	s24 =	simm.s32 $0x2;
	s30 =	simm.s32 $0x3;
	v8 =	vmov s23  }
0x14: {  	s31 =	simm.s32 $0x4;
	s25 =	sshll.u32 s22, $0x7;
	v10 =	vmov s26;
	v11 =	vmov s24;
	v13 =	vmov s30;
	s26 =	simm.s32 $0x5  }
0x15: {  	v16 =	vmov s31;
	s30 =	simm.s32 $0x6;
	v8 =	vand.u32 $0x78, v8;
	s23 =	sand.u32 $0x3FFFFF80, s25;
	s25 =	simm.s32 $0x7;
	v17 =	vmov s26  }
0x16: {  	v10 =	vand.u32 $0x79, v10;
	v8 =	vbroadcast v8, $0x0;
	[tilespmem:s11], [sflag:$0x2] =	stream.indirect.gather [hbm4b:s4+s9], $0x80, s23, s9, $0xb8;
	v12 =	vmov s25;
	[tilespmem:$0x12400] =	vst v63  }
0x17: {  	v18 =	vmov s30;
	v15 =	vbroadcast v10, $0x0;
	v12 =	vand.u32 $0x7F, v12;
	_ =	swait.ge [sflag:s12], $0x4000  }
0x18: {  	p0 =	seq.s32 s21, $0x0;
	v10 =	vand.u32 $0x7A, v11;
	v9 =	vor.u32 v0, v8;
	v12 =	vbroadcast v12, $0x0;
	[sflag:s12] =	ssyncset.done $0x0  }
0x19: {  	s23 =	simm.s32 @!p0 $0x3;
	v14 =	vbroadcast v10, $0x0;
	v10 =	vand.u32 $0x7B, v13;
	v20 =	vor.u32 v0, v15;
	[sflag:s12] =	ssyncadd.s32 $0xFFFFC000  }
0x1a: {  	v13 =	vbroadcast v10, $0x0;
	v10 =	vand.u32 $0x7C, v16;
	v19 =	vor.u32 v0, v12;
	_ =	swait.ge @!p0 [sflag:s23], $0x2000  }
0x1b: {  	v16 =	vor.u32 v0, v14;
	v11 =	vbroadcast v10, $0x0;
	v10 =	vand.u32 $0x7D, v17;
	[sflag:s23] =	ssyncset.done @!p0 $0x0  }
0x1c: {  	v18 =	vand.u32 $0x7E, v18;
	v17 =	vor.u32 v0, v13;
	v10 =	vbroadcast v10, $0x0;
	[sflag:s23] =	ssyncadd.s32 @!p0 $0xFFFFE000  }
0x1d: {  	v22 =	vor.u32 v0, v11;
	v21 =	vld.idx.msk [tilespmem:v9+s10+$0x0], $0xffff;
	v9 =	vbroadcast v18, $0x0  }
0x1e: {  	v18 =	vor.u32 v0, v10;
	v20 =	vld.idx.msk [tilespmem:v20+s10+$0x0], $0xffff  }
0x1f: {  	v19 =	vld.idx.msk [tilespmem:v19+s10+$0x0], $0xffff;
	v23 =	vor.u32 v0, v9  }
0x20: {  	v24 =	vor.u32 v1, v12;
	v16 =	vld.idx.msk [tilespmem:v16+s10+$0x0], $0xffff  }
0x21: {  	v25 =	vor.u32 v1, v15;
	v17 =	vld.idx.msk [tilespmem:v17+s10+$0x0], $0xffff  }
0x22: {  	s24 =	simm.s32 $0xE600;
	v26 =	vor.u32 v1, v14;
	v22 =	vld.idx.msk [tilespmem:v22+s10+$0x0], $0xffff  }
0x23: {  	v27 =	vor.u32 v1, v13;
	v18 =	vld.idx.msk [tilespmem:v18+s10+$0x0], $0xffff;
	[tilespmem:s24+$0xFFFFFE80] =	vst v20  }
0x24: {  	v28 =	vor.u32 v1, v11;
	v23 =	vld.idx.msk [tilespmem:v23+s10+$0x0], $0xffff;
	[tilespmem:s24+$0x180] =	vst v19  }
0x25: {  	[tilespmem:s24+$0xFFFFFE00] =	vst v21;
	v19 =	vor.u32 v1, v10;
	v20 =	vld.idx.msk [tilespmem:v24+s10+$0x0], $0xffff  }
0x26: {  	[tilespmem:s24+$0xFFFFFF00] =	vst v16;
	v16 =	vor.u32 v1, v9;
	v24 =	vld.idx.msk [tilespmem:v25+s10+$0x0], $0xffff  }
0x27: {  	[tilespmem:s24+$0xFFFFFF80] =	vst v17;
	v25 =	vld.idx.msk [tilespmem:v26+s10+$0x0], $0xffff;
	v26 =	vor.u32 v1, v8  }
0x28: {  	v17 =	vor.u32 v2, v12;
	v27 =	vld.idx.msk [tilespmem:v27+s10+$0x0], $0xffff;
	[tilespmem:s24+$0x0] =	vst v22  }
0x29: {  	v22 =	vor.u32 v2, v15;
	v28 =	vld.idx.msk [tilespmem:v28+s10+$0x0], $0xffff;
	[tilespmem:s24+$0x80] =	vst v18  }
0x2a: {  	v18 =	vor.u32 v2, v14;
	v19 =	vld.idx.msk [tilespmem:v19+s10+$0x0], $0xffff;
	[tilespmem:s24+$0x100] =	vst v23  }
0x2b: {  	v23 =	vor.u32 v2, v13;
	v16 =	vld.idx.msk [tilespmem:v16+s10+$0x0], $0xffff;
	[tilespmem:s24+$0x190] =	vst v20  }
0x2c: {  	v20 =	vor.u32 v2, v11;
	v21 =	vld.idx.msk [tilespmem:v26+s10+$0x0], $0xffff;
	[tilespmem:s24+$0xFFFFFE90] =	vst v24  }
0x2d: {  	v24 =	vor.u32 v2, v10;
	[tilespmem:s24+$0xFFFFFF10] =	vst v25;
	v17 =	vld.idx.msk [tilespmem:v17+s10+$0x0], $0xffff  }
0x2e: {  	v25 =	vor.u32 v3, v12;
	[tilespmem:s24+$0xFFFFFF90] =	vst v27;
	v22 =	vld.idx.msk [tilespmem:v22+s10+$0x0], $0xffff  }
0x2f: {  	v26 =	vor.u32 v2, v9;
	[tilespmem:s24+$0x10] =	vst v28;
	v18 =	vld.idx.msk [tilespmem:v18+s10+$0x0], $0xffff  }
0x30: {  	v27 =	vor.u32 v2, v8;
	v23 =	vld.idx.msk [tilespmem:v23+s10+$0x0], $0xffff;
	[tilespmem:s24+$0x90] =	vst v19  }
0x31: {  	v28 =	vor.u32 v3, v15;
	v20 =	vld.idx.msk [tilespmem:v20+s10+$0x0], $0xffff;
	[tilespmem:s24+$0x110] =	vst v16  }
0x32: {  	v19 =	vor.u32 v3, v14;
	v24 =	vld.idx.msk [tilespmem:v24+s10+$0x0], $0xffff;
	[tilespmem:s24+$0x1A0] =	vst v17  }
0x33: {  	[tilespmem:s24+$0xFFFFFE10] =	vst v21;
	v17 =	vor.u32 v3, v13;
	v16 =	vld.idx.msk [tilespmem:v25+s10+$0x0], $0xffff  }
0x34: {  	v21 =	vor.u32 v3, v11;
	[tilespmem:s24+$0xFFFFFEA0] =	vst v22;
	v25 =	vld.idx.msk [tilespmem:v26+s10+$0x0], $0xffff  }
0x35: {  	v26 =	vld.idx.msk [tilespmem:v27+s10+$0x0], $0xffff;
	[tilespmem:s24+$0xFFFFFF20] =	vst v18;
	v18 =	vor.u32 v3, v10  }
0x36: {  	v22 =	vor.u32 v4, v12;
	v27 =	vld.idx.msk [tilespmem:v28+s10+$0x0], $0xffff;
	[tilespmem:s24+$0xFFFFFFA0] =	vst v23  }
0x37: {  	v28 =	vor.u32 v3, v8;
	v19 =	vld.idx.msk [tilespmem:v19+s10+$0x0], $0xffff;
	[tilespmem:s24+$0x20] =	vst v20  }
0x38: {  	v23 =	vor.u32 v3, v9;
	[tilespmem:s24+$0xA0] =	vst v24;
	v17 =	vld.idx.msk [tilespmem:v17+s10+$0x0], $0xffff  }
0x39: {  	v20 =	vor.u32 v4, v15;
	v21 =	vld.idx.msk [tilespmem:v21+s10+$0x0], $0xffff;
	[tilespmem:s24+$0x1B0] =	vst v16  }
0x3a: {  	v16 =	vor.u32 v4, v14;
	v18 =	vld.idx.msk [tilespmem:v18+s10+$0x0], $0xffff;
	[tilespmem:s24+$0x120] =	vst v25  }
0x3b: {  	v24 =	vor.u32 v4, v13;
	[tilespmem:s24+$0xFFFFFE20] =	vst v26;
	v22 =	vld.idx.msk [tilespmem:v22+s10+$0x0], $0xffff  }
0x3c: {  	[tilespmem:s24+$0xFFFFFEB0] =	vst v27;
	v27 =	vor.u32 v4, v11;
	v26 =	vld.idx.msk [tilespmem:v28+s10+$0x0], $0xffff  }
0x3d: {  	v25 =	vor.u32 v5, v12;
	v23 =	vld.idx.msk [tilespmem:v23+s10+$0x0], $0xffff;
	[tilespmem:s24+$0xFFFFFF30] =	vst v19  }
0x3e: {  	v19 =	vor.u32 v4, v10;
	v20 =	vld.idx.msk [tilespmem:v20+s10+$0x0], $0xffff;
	[tilespmem:s24+$0xFFFFFFB0] =	vst v17  }
0x3f: {  	v28 =	vor.u32 v4, v8;
	[tilespmem:s24+$0x30] =	vst v21;
	v16 =	vld.idx.msk [tilespmem:v16+s10+$0x0], $0xffff  }
0x40: {  	v17 =	vor.u32 v4, v9;
	v24 =	vld.idx.msk [tilespmem:v24+s10+$0x0], $0xffff;
	[tilespmem:s24+$0xB0] =	vst v18  }
0x41: {  	v27 =	vld.idx.msk [tilespmem:v27+s10+$0x0], $0xffff;
	[tilespmem:s24+$0x1C0] =	vst v22;
	v22 =	vor.u32 v5, v15  }
0x42: {  	[tilespmem:s24+$0xFFFFFE30] =	vst v26;
	v21 =	vld.idx.msk [tilespmem:v25+s10+$0x0], $0xffff;
	v25 =	vor.u32 v5, v14  }
0x43: {  	v18 =	vld.idx.msk [tilespmem:v19+s10+$0x0], $0xffff;
	[tilespmem:s24+$0x130] =	vst v23;
	v23 =	vor.u32 v5, v13  }
0x44: {  	v19 =	vor.u32 v6, v12;
	v26 =	vld.idx.msk [tilespmem:v28+s10+$0x0], $0xffff  }
0x45: {  	[tilespmem:s24+$0xFFFFFEC0] =	vst v20;
	v20 =	vor.u32 v5, v11;
	v17 =	vld.idx.msk [tilespmem:v17+s10+$0x0], $0xffff  }
0x46: {  	[tilespmem:s24+$0xFFFFFF40] =	vst v16;
	v16 =	vor.u32 v5, v10;
	v22 =	vld.idx.msk [tilespmem:v22+s10+$0x0], $0xffff  }
0x47: {  	v28 =	vor.u32 v5, v9;
	[tilespmem:s24+$0xFFFFFFC0] =	vst v24;
	v25 =	vld.idx.msk [tilespmem:v25+s10+$0x0], $0xffff  }
0x48: {  	[tilespmem:s24+$0x1D0] =	vst v21;
	v21 =	vor.u32 v5, v8;
	v23 =	vld.idx.msk [tilespmem:v23+s10+$0x0], $0xffff  }
0x49: {  	v24 =	vor.u32 v6, v15;
	[tilespmem:s24+$0x40] =	vst v27;
	v19 =	vld.idx.msk [tilespmem:v19+s10+$0x0], $0xffff  }
0x4a: {  	v12 =	vor.u32 v7, v12;
	[tilespmem:s24+$0xC0] =	vst v18;
	v27 =	vld.idx.msk [tilespmem:v20+s10+$0x0], $0xffff  }
0x4b: {  	v18 =	vor.u32 v6, v14;
	[tilespmem:s24+$0x140] =	vst v17;
	v29 =	vld.idx.msk [tilespmem:v16+s10+$0x0], $0xffff  }
0x4c: {  	s25 =	simm.s32 $0x8;
	[tilespmem:s24+$0xFFFFFE40] =	vst v26;
	v16 =	vor.u32 v6, v13;
	v30 =	vld.idx.msk [tilespmem:v28+s10+$0x0], $0xffff  }
0x4d: {  	v32 =	vor.u32 v6, v9;
	v20 =	vmov s25;
	[tilespmem:s24+$0xFFFFFED0] =	vst v22;
	v31 =	vld.idx.msk [tilespmem:v21+s10+$0x0], $0xffff  }
0x4e: {  	v21 =	vor.u32 v6, v11;
	v17 =	vld.idx.msk [tilespmem:v24+s10+$0x0], $0xffff;
	[tilespmem:s24+$0x1E0] =	vst v19;
	v19 =	vand.u32 $0x78, v20  }
0x4f: {  	v22 =	vor.u32 v6, v10;
	[tilespmem:s24+$0xFFFFFF50] =	vst v25;
	v26 =	vld.idx.msk [tilespmem:v12+s10+$0x0], $0xffff;
	v12 =	vbroadcast v19, $0x0  }
0x50: {  	v28 =	vor.u32 v6, v8;
	[tilespmem:s24+$0xFFFFFFD0] =	vst v23;
	v20 =	vld.idx.msk [tilespmem:v18+s10+$0x0], $0xffff  }
0x51: {  	v18 =	vld.idx.msk [tilespmem:v16+s10+$0x0], $0xffff;
	[tilespmem:s24+$0x150] =	vst v30;
	v16 =	vor.u32 v0, v12  }
0x52: {  	s28 =	simm.s32 $0xA;
	s26 =	simm.s32 $0x9;
	v24 =	vor.u32 v7, v15;
	[tilespmem:s24+$0x50] =	vst v27;
	v23 =	vld.idx.msk [tilespmem:v32+s10+$0x0], $0xffff  }
0x53: {  	s29 =	simm.s32 $0xD;
	s31 =	simm.s32 $0xB;
	v14 =	vor.u32 v7, v14;
	v15 =	vmov s26;
	v25 =	vmov s28;
	s28 =	simm.s32 $0xC;
	[tilespmem:s24+$0xD0] =	vst v29;
	v19 =	vld.idx.msk [tilespmem:v21+s10+$0x0], $0xffff  }
0x54: {  	s23 =	sshll.u32 s21, $0x1;
	v13 =	vor.u32 v7, v13;
	s26 =	simm.s32 $0x10;
	v27 =	vmov s31;
	v21 =	vld.idx.msk [tilespmem:v22+s10+$0x0], $0xffff;
	v22 =	vmov s28;
	s28 =	simm.s32 $0xF;
	[tilespmem:s24+$0xFFFFFE50] =	vst v31  }
.LBB2_3:
0x55: {  	p1 =	slt.u32 s26, $0x38;
	v29 =	vmov s29;
	s29 =	sadd.s32 $0x6, s25;
	v30 =	vmov s28;
	v28 =	vld.idx.msk [tilespmem:v28+s10+$0x0], $0xffff;
	v11 =	vor.u32 v7, v11;
	[tilespmem:s24+$0x1F0] =	vst v26;
	s25 =	smov.u32 s26  }
0x56: {  	v10 =	vor.u32 v7, v10;
	v26 =	vld.idx.msk [tilespmem:v16+s10+$0x0], $0xffff;
	v31 =	vmov s29;
	v16 =	vand.u32 $0x7F, v30;
	[tilespmem:s24+$0xFFFFFEE0] =	vst v17  }
0x57: {  	v15 =	vand.u32 $0x79, v15;
	v9 =	vor.u32 v7, v9;
	v16 =	vbroadcast v16, $0x0;
	v17 =	vld.idx.msk [tilespmem:v24+s10+$0x0], $0xffff;
	[tilespmem:s24+$0xFFFFFF60] =	vst v20  }
0x58: {  	v15 =	vbroadcast v15, $0x0;
	v20 =	vand.u32 $0x7A, v25;
	v24 =	vor.u32 v7, v8;
	v8 =	vmovc v12;
	v25 =	vld.idx.msk [tilespmem:v14+s10+$0x0], $0xffff;
	[tilespmem:s24+$0xFFFFFFE0] =	vst v18  }
0x59: {  	v12 =	vand.u32 $0x7B, v27;
	v14 =	vbroadcast v20, $0x0;
	v18 =	vor.u32 v0, v16;
	v20 =	vld.idx.msk [tilespmem:v13+s10+$0x0], $0xffff;
	[tilespmem:s24+$0x60] =	vst v19  }
0x5a: {  	v19 =	vor.u32 v0, v15;
	v13 =	vbroadcast v12, $0x0;
	v12 =	vand.u32 $0x7C, v22;
	v22 =	vld.idx.msk [tilespmem:v11+s10+$0x0], $0xffff;
	[tilespmem:s24+$0xE0] =	vst v21  }
0x5b: {  	v21 =	vor.u32 v0, v14;
	v11 =	vbroadcast v12, $0x0;
	v12 =	vand.u32 $0x7D, v29;
	v27 =	vld.idx.msk [tilespmem:v10+s10+$0x0], $0xffff;
	[tilespmem:s24+$0x160] =	vst v23  }
0x5c: {  	v23 =	vor.u32 v0, v13;
	v10 =	vbroadcast v12, $0x0;
	v12 =	vand.u32 $0x7E, v31;
	[tilespmem:s24+$0xFFFFFE60] =	vst v28;
	v28 =	vld.idx.msk [tilespmem:v9+s10+$0x0], $0xffff  }
0x5d: {  	v29 =	vor.u32 v0, v11;
	v9 =	vbroadcast v12, $0x0;
	v12 =	vld.idx.msk [tilespmem:v24+s10+$0x0], $0xffff;
	[tilespmem:s24+$0xFFFFFEF0] =	vst v17  }
0x5e: {  	v17 =	vor.u32 v0, v10;
	v18 =	vld.idx.msk [tilespmem:v18+s10+$0x0], $0xffff;
	[tilespmem:s24+$0xFFFFFF70] =	vst v25  }
0x5f: {  	v24 =	vor.u32 v0, v9;
	v19 =	vld.idx.msk [tilespmem:v19+s10+$0x0], $0xffff;
	[tilespmem:s24+$0xFFFFFFF0] =	vst v20  }
0x60: {  	v20 =	vld.idx.msk [tilespmem:v21+s10+$0x0], $0xffff;
	v21 =	vor.u32 v1, v16;
	[tilespmem:s24+$0x70] =	vst v22  }
0x61: {  	v22 =	vor.u32 v1, v15;
	v23 =	vld.idx.msk [tilespmem:v23+s10+$0x0], $0xffff;
	[tilespmem:s24+$0xF0] =	vst v27  }
0x62: {  	v25 =	vor.u32 v1, v14;
	v27 =	vld.idx.msk [tilespmem:v29+s10+$0x0], $0xffff;
	[tilespmem:s24+$0x170] =	vst v28  }
0x63: {  	v28 =	vor.u32 v1, v13;
	v17 =	vld.idx.msk [tilespmem:v17+s10+$0x0], $0xffff;
	[tilespmem:s24+$0xFFFFFE70] =	vst v12;
	s24 =	sadd.s32 $0x400, s24  }
0x64: {  	v12 =	vor.u32 v1, v11;
	v24 =	vld.idx.msk [tilespmem:v24+s10+$0x0], $0xffff;
	[tilespmem:s24+$0x180] =	vst v18  }
0x65: {  	v18 =	vor.u32 v1, v10;
	[tilespmem:s24+$0xFFFFFE80] =	vst v19;
	v19 =	vld.idx.msk [tilespmem:v21+s10+$0x0], $0xffff  }
0x66: {  	v21 =	vld.idx.msk [tilespmem:v22+s10+$0x0], $0xffff;
	[tilespmem:s24+$0xFFFFFF00] =	vst v20;
	v20 =	vor.u32 v1, v9  }
0x67: {  	v22 =	vld.idx.msk [tilespmem:v25+s10+$0x0], $0xffff;
	[tilespmem:s24+$0xFFFFFF80] =	vst v23;
	v23 =	vor.u32 v2, v16  }
0x68: {  	v25 =	vor.u32 v1, v8;
	v28 =	vld.idx.msk [tilespmem:v28+s10+$0x0], $0xffff;
	[tilespmem:s24+$0x0] =	vst v27  }
0x69: {  	v27 =	vor.u32 v2, v15;
	v12 =	vld.idx.msk [tilespmem:v12+s10+$0x0], $0xffff;
	[tilespmem:s24+$0x80] =	vst v17  }
0x6a: {  	v17 =	vor.u32 v2, v14;
	v18 =	vld.idx.msk [tilespmem:v18+s10+$0x0], $0xffff;
	[tilespmem:s24+$0x100] =	vst v24  }
0x6b: {  	v24 =	vor.u32 v2, v13;
	v20 =	vld.idx.msk [tilespmem:v20+s10+$0x0], $0xffff;
	[tilespmem:s24+$0x190] =	vst v19  }
0x6c: {  	v19 =	vor.u32 v2, v11;
	[tilespmem:s24+$0xFFFFFE00] =	vst v26;
	v23 =	vld.idx.msk [tilespmem:v23+s10+$0x0], $0xffff  }
0x6d: {  	v25 =	vld.idx.msk [tilespmem:v25+s10+$0x0], $0xffff;
	[tilespmem:s24+$0xFFFFFE90] =	vst v21;
	v21 =	vor.u32 v2, v10  }
0x6e: {  	v26 =	vld.idx.msk [tilespmem:v27+s10+$0x0], $0xffff;
	[tilespmem:s24+$0xFFFFFF10] =	vst v22;
	v22 =	vor.u32 v3, v16  }
0x6f: {  	v27 =	vor.u32 v2, v9;
	v17 =	vld.idx.msk [tilespmem:v17+s10+$0x0], $0xffff;
	[tilespmem:s24+$0xFFFFFF90] =	vst v28  }
0x70: {  	v28 =	vor.u32 v2, v8;
	v24 =	vld.idx.msk [tilespmem:v24+s10+$0x0], $0xffff;
	[tilespmem:s24+$0x10] =	vst v12  }
0x71: {  	v12 =	vor.u32 v3, v15;
	v19 =	vld.idx.msk [tilespmem:v19+s10+$0x0], $0xffff;
	[tilespmem:s24+$0x90] =	vst v18  }
0x72: {  	v18 =	vor.u32 v3, v14;
	v21 =	vld.idx.msk [tilespmem:v21+s10+$0x0], $0xffff;
	[tilespmem:s24+$0x1A0] =	vst v23  }
0x73: {  	v23 =	vor.u32 v3, v13;
	[tilespmem:s24+$0x110] =	vst v20;
	v20 =	vld.idx.msk [tilespmem:v22+s10+$0x0], $0xffff  }
0x74: {  	v22 =	vor.u32 v3, v11;
	[tilespmem:s24+$0xFFFFFE10] =	vst v25;
	v25 =	vld.idx.msk [tilespmem:v27+s10+$0x0], $0xffff  }
0x75: {  	v27 =	vld.idx.msk [tilespmem:v28+s10+$0x0], $0xffff;
	[tilespmem:s24+$0xFFFFFEA0] =	vst v26;
	v26 =	vor.u32 v4, v16  }
0x76: {  	v12 =	vld.idx.msk [tilespmem:v12+s10+$0x0], $0xffff;
	[tilespmem:s24+$0xFFFFFF20] =	vst v17;
	v17 =	vor.u32 v3, v10  }
0x77: {  	v18 =	vld.idx.msk [tilespmem:v18+s10+$0x0], $0xffff;
	[tilespmem:s24+$0xFFFFFFA0] =	vst v24;
	v24 =	vor.u32 v3, v9  }
0x78: {  	v28 =	vor.u32 v3, v8;
	v23 =	vld.idx.msk [tilespmem:v23+s10+$0x0], $0xffff;
	[tilespmem:s24+$0x20] =	vst v19  }
0x79: {  	v19 =	vor.u32 v4, v15;
	v22 =	vld.idx.msk [tilespmem:v22+s10+$0x0], $0xffff;
	[tilespmem:s24+$0x1B0] =	vst v20  }
0x7a: {  	v20 =	vor.u32 v4, v14;
	[tilespmem:s24+$0xA0] =	vst v21;
	v21 =	vld.idx.msk [tilespmem:v26+s10+$0x0], $0xffff  }
0x7b: {  	v26 =	vor.u32 v4, v13;
	v17 =	vld.idx.msk [tilespmem:v17+s10+$0x0], $0xffff;
	[tilespmem:s24+$0x120] =	vst v25  }
0x7c: {  	v25 =	vor.u32 v5, v16;
	[tilespmem:s24+$0xFFFFFE20] =	vst v27;
	v24 =	vld.idx.msk [tilespmem:v24+s10+$0x0], $0xffff  }
0x7d: {  	v27 =	vld.idx.msk [tilespmem:v28+s10+$0x0], $0xffff;
	[tilespmem:s24+$0xFFFFFEB0] =	vst v12;
	v12 =	vor.u32 v4, v11  }
0x7e: {  	v19 =	vld.idx.msk [tilespmem:v19+s10+$0x0], $0xffff;
	[tilespmem:s24+$0xFFFFFF30] =	vst v18;
	v18 =	vor.u32 v4, v10  }
0x7f: {  	v20 =	vld.idx.msk [tilespmem:v20+s10+$0x0], $0xffff;
	[tilespmem:s24+$0xFFFFFFB0] =	vst v23;
	v23 =	vor.u32 v4, v9  }
0x80: {  	v28 =	vor.u32 v4, v8;
	v26 =	vld.idx.msk [tilespmem:v26+s10+$0x0], $0xffff;
	[tilespmem:s24+$0x1C0] =	vst v21  }
0x81: {  	v21 =	vor.u32 v5, v15;
	[tilespmem:s24+$0x30] =	vst v22;
	v22 =	vld.idx.msk [tilespmem:v25+s10+$0x0], $0xffff  }
0x82: {  	v25 =	vor.u32 v5, v14;
	v12 =	vld.idx.msk [tilespmem:v12+s10+$0x0], $0xffff;
	[tilespmem:s24+$0xB0] =	vst v17  }
0x83: {  	v17 =	vld.idx.msk [tilespmem:v18+s10+$0x0], $0xffff;
	[tilespmem:s24+$0x130] =	vst v24;
	v18 =	vor.u32 v6, v16  }
0x84: {  	v24 =	vor.u32 v5, v13;
	[tilespmem:s24+$0xFFFFFE30] =	vst v27;
	v23 =	vld.idx.msk [tilespmem:v23+s10+$0x0], $0xffff  }
0x85: {  	v27 =	vld.idx.msk [tilespmem:v28+s10+$0x0], $0xffff;
	[tilespmem:s24+$0xFFFFFEC0] =	vst v19;
	v19 =	vor.u32 v5, v11  }
0x86: {  	v21 =	vld.idx.msk [tilespmem:v21+s10+$0x0], $0xffff;
	[tilespmem:s24+$0xFFFFFF40] =	vst v20;
	v20 =	vor.u32 v5, v10  }
0x87: {  	v28 =	vor.u32 v5, v9;
	v25 =	vld.idx.msk [tilespmem:v25+s10+$0x0], $0xffff;
	[tilespmem:s24+$0x1D0] =	vst v22  }
0x88: {  	v22 =	vor.u32 v5, v8;
	[tilespmem:s24+$0xFFFFFFC0] =	vst v26;
	v18 =	vld.idx.msk [tilespmem:v18+s10+$0x0], $0xffff  }
0x89: {  	v26 =	vor.u32 v6, v15;
	v24 =	vld.idx.msk [tilespmem:v24+s10+$0x0], $0xffff;
	[tilespmem:s24+$0x40] =	vst v12  }
0x8a: {  	v16 =	vor.u32 v7, v16;
	v19 =	vld.idx.msk [tilespmem:v19+s10+$0x0], $0xffff;
	[tilespmem:s24+$0xC0] =	vst v17  }
0x8b: {  	v29 =	vor.u32 v6, v14;
	v30 =	vld.idx.msk [tilespmem:v20+s10+$0x0], $0xffff;
	[tilespmem:s24+$0x140] =	vst v23  }
0x8c: {  	v23 =	vor.u32 v6, v13;
	[tilespmem:s24+$0xFFFFFE40] =	vst v27;
	v27 =	vld.idx.msk [tilespmem:v28+s10+$0x0], $0xffff  }
0x8d: {  	v12 =	vmov s26;
	v31 =	vld.idx.msk [tilespmem:v22+s10+$0x0], $0xffff;
	[tilespmem:s24+$0xFFFFFED0] =	vst v21;
	v21 =	vor.u32 v6, v11  }
0x8e: {  	v12 =	vand.u32 $0x78, v12;
	v22 =	vor.u32 v6, v10;
	v17 =	vld.idx.msk [tilespmem:v26+s10+$0x0], $0xffff;
	[tilespmem:s24+$0x1E0] =	vst v18  }
0x8f: {  	v32 =	vor.u32 v6, v9;
	v12 =	vbroadcast v12, $0x0;
	[tilespmem:s24+$0xFFFFFF50] =	vst v25;
	v26 =	vld.idx.msk [tilespmem:v16+s10+$0x0], $0xffff  }
.Ltmp0:
0x90: {  	v28 =	vor.u32 v6, v8;
	v20 =	vld.idx.msk [tilespmem:v29+s10+$0x0], $0xffff;
	[tilespmem:s24+$0xFFFFFFD0] =	vst v24;
	(pc) =	sbr.rel @p1 .LBB2_3-.Ltmp0, $4  }
0x91: {  	v16 =	vor.u32 v0, v12;
	v18 =	vld.idx.msk [tilespmem:v23+s10+$0x0], $0xffff;
	[tilespmem:s24+$0x50] =	vst v19  }
0x92: {  	s28 =	sadd.s32 $0x1, s26;
	s29 =	sadd.s32 $0x2, s26;
	v24 =	vor.u32 v7, v15;
	v19 =	vld.idx.msk [tilespmem:v21+s10+$0x0], $0xffff;
	[tilespmem:s24+$0xD0] =	vst v30  }
0x93: {  	v14 =	vor.u32 v7, v14;
	v25 =	vmov s29;
	s29 =	sadd.s32 $0x4, s26;
	v15 =	vmov s28;
	s28 =	sadd.s32 $0x3, s26;
	v21 =	vld.idx.msk [tilespmem:v22+s10+$0x0], $0xffff;
	[tilespmem:s24+$0x150] =	vst v27  }
0x94: {  	v13 =	vor.u32 v7, v13;
	s26 =	sadd.s32 $0x8, s26;
	v27 =	vmov s28;
	v22 =	vmov s29;
	s29 =	sadd.s32 $0x5, s25;
	s28 =	sadd.s32 $0x7, s25;
	[tilespmem:s24+$0xFFFFFE50] =	vst v31;
	v23 =	vld.idx.msk [tilespmem:v32+s10+$0x0], $0xffff  }
0x95: {  	_ =	sdelay $0x1  }
0x96: {  	[tilespmem:s24+$0x1F0] =	vst v26  }
0x97: {  	[tilespmem:s24+$0xFFFFFEE0] =	vst v17  }
0x98: {  	v11 =	vor.u32 v7, v11;
	v47 =	vld.idx.msk [tilespmem:v28+s10+$0x0], $0xffff;
	[tilespmem:s24+$0xFFFFFF60] =	vst v20  }
0x99: {  	v46 =	vmov s29;
	v29 =	vmov s28;
	v30 =	vor.u32 v7, v10;
	v16 =	vld.idx.msk [tilespmem:v16+s10+$0x0], $0xffff;
	[tilespmem:s24+$0xFFFFFFE0] =	vst v18  }
0x9a: {  	v49 =	vand.u32 $0x79, v15;
	v51 =	vor.u32 v7, v9;
	v52 =	vand.u32 $0x7A, v25;
	v50 =	vld.idx.msk [tilespmem:v24+s10+$0x0], $0xffff;
	[tilespmem:s24+$0x60] =	vst v19  }
0x9b: {  	v53 =	vor.u32 v7, v8;
	v29 =	vand.u32 $0x7F, v29;
	v9 =	vbroadcast v49, $0x0;
	v54 =	vld.idx.msk [tilespmem:v14+s10+$0x0], $0xffff;
	[tilespmem:s24+$0xE0] =	vst v21  }
0x9c: {  	v8 =	vbroadcast v52, $0x0;
	v62 =	vand.u32 $0x7D, v46;
	v46 =	vor.u32 v1, v12;
	v57 =	vld.idx.msk [tilespmem:v13+s10+$0x0], $0xffff;
	[tilespmem:s24+$0x160] =	vst v23  }
0x9d: {  	s25 =	sadd.s32 $0x6, s25;
	v55 =	vand.u32 $0x7B, v27;
	s30 =	sadd.s32 $0x400, s24;
	v15 =	vbroadcast v29, $0x0;
	v58 =	vor.u32 v0, v9;
	v60 =	vld.idx.msk [tilespmem:v11+s10+$0x0], $0xffff;
	[tilespmem:s24+$0xFFFFFE60] =	vst v47  }
0x9e: {  	v48 =	vmov s25;
	v13 =	vbroadcast v62, $0x0;
	v61 =	vor.u32 v0, v8;
	v63 =	vld.idx.msk [tilespmem:v30+s10+$0x0], $0xffff;
	[tilespmem:s30+$0xFFFFFE00] =	vst v16  }
0x9f: {  	v10 =	vbroadcast v55, $0x0;
	v31 =	vand.u32 $0x7E, v48;
	v56 =	vor.u32 v0, v15;
	v24 =	vld.idx.msk [tilespmem:v51+s10+$0x0], $0xffff;
	[tilespmem:s24+$0xFFFFFEF0] =	vst v50  }
0xa0: {  	v59 =	vand.u32 $0x7C, v22;
	v14 =	vbroadcast v31, $0x0;
	v33 =	vor.u32 v0, v13;
	v18 =	vld.idx.msk [tilespmem:v53+s10+$0x0], $0xffff;
	[tilespmem:s24+$0xFFFFFF70] =	vst v54  }
0xa1: {  	v11 =	vbroadcast v59, $0x0;
	v30 =	vor.u32 v0, v10;
	v52 =	vld.idx.msk [tilespmem:v46+s10+$0x0], $0xffff;
	[tilespmem:s24+$0xFFFFFFF0] =	vst v57  }
0xa2: {  	v34 =	vor.u32 v0, v14;
	v21 =	vld.idx.msk [tilespmem:v58+s10+$0x0], $0xffff;
	[tilespmem:s24+$0x70] =	vst v60  }
0xa3: {  	v32 =	vor.u32 v0, v11;
	v35 =	vld.idx.msk [tilespmem:v61+s10+$0x0], $0xffff;
	[tilespmem:s24+$0xF0] =	vst v63  }
0xa4: {  	v37 =	vor.u32 v1, v9;
	v19 =	vld.idx.msk [tilespmem:v56+s10+$0x0], $0xffff;
	[tilespmem:s24+$0x170] =	vst v24  }
0xa5: {  	v38 =	vor.u32 v1, v8;
	v25 =	vld.idx.msk [tilespmem:v33+s10+$0x0], $0xffff;
	[tilespmem:s24+$0xFFFFFE70] =	vst v18  }
0xa6: {  	v36 =	vor.u32 v1, v15;
	v17 =	vld.idx.msk [tilespmem:v30+s10+$0x0], $0xffff;
	[tilespmem:s30+$0xFFFFFE10] =	vst v52  }
0xa7: {  	v42 =	vor.u32 v1, v13;
	v40 =	vld.idx.msk [tilespmem:v34+s10+$0x0], $0xffff;
	[tilespmem:s30+$0xFFFFFE80] =	vst v21  }
0xa8: {  	v39 =	vor.u32 v1, v10;
	v20 =	vld.idx.msk [tilespmem:v32+s10+$0x0], $0xffff;
	[tilespmem:s30+$0xFFFFFF00] =	vst v35  }
0xa9: {  	v45 =	vor.u32 v1, v14;
	[tilespmem:s30+$0x180] =	vst v19;
	v43 =	vld.idx.msk [tilespmem:v37+s10+$0x0], $0xffff  }
0xaa: {  	v41 =	vor.u32 v1, v11;
	v18 =	vld.idx.msk [tilespmem:v38+s10+$0x0], $0xffff;
	[tilespmem:s30+$0x80] =	vst v25  }
0xab: {  	v47 =	vor.u32 v2, v9;
	v23 =	vld.idx.msk [tilespmem:v36+s10+$0x0], $0xffff;
	[tilespmem:s30+$0xFFFFFF80] =	vst v17  }
0xac: {  	v48 =	vor.u32 v2, v8;
	[tilespmem:s30+$0x100] =	vst v40;
	v22 =	vld.idx.msk [tilespmem:v42+s10+$0x0], $0xffff  }
0xad: {  	v57 =	vor.u32 v2, v12;
	v19 =	vld.idx.msk [tilespmem:v39+s10+$0x0], $0xffff;
	[tilespmem:s30+$0x0] =	vst v20  }
0xae: {  	v44 =	vor.u32 v2, v15;
	v50 =	vld.idx.msk [tilespmem:v45+s10+$0x0], $0xffff;
	[tilespmem:s30+$0xFFFFFE90] =	vst v43  }
0xaf: {  	v54 =	vor.u32 v2, v13;
	v21 =	vld.idx.msk [tilespmem:v41+s10+$0x0], $0xffff;
	[tilespmem:s30+$0xFFFFFF10] =	vst v18  }
0xb0: {  	v49 =	vor.u32 v2, v10;
	[tilespmem:s30+$0x190] =	vst v23;
	v26 =	vld.idx.msk [tilespmem:v47+s10+$0x0], $0xffff  }
0xb1: {  	v56 =	vor.u32 v2, v14;
	v55 =	vld.idx.msk [tilespmem:v48+s10+$0x0], $0xffff;
	[tilespmem:s30+$0x90] =	vst v22  }
0xb2: {  	v51 =	vor.u32 v2, v11;
	v22 =	vld.idx.msk [tilespmem:v57+s10+$0x0], $0xffff;
	[tilespmem:s30+$0xFFFFFF90] =	vst v19  }
0xb3: {  	v58 =	vor.u32 v3, v9;
	v24 =	vld.idx.msk [tilespmem:v44+s10+$0x0], $0xffff;
	[tilespmem:s30+$0x110] =	vst v50  }
0xb4: {  	v59 =	vor.u32 v3, v8;
	v60 =	vld.idx.msk [tilespmem:v54+s10+$0x0], $0xffff;
	[tilespmem:s30+$0x10] =	vst v21  }
0xb5: {  	v31 =	vor.u32 v3, v12;
	v16 =	vld.idx.msk [tilespmem:v49+s10+$0x0], $0xffff;
	[tilespmem:s30+$0xFFFFFEA0] =	vst v26  }
0xb6: {  	v53 =	vor.u32 v3, v15;
	v23 =	vld.idx.msk [tilespmem:v56+s10+$0x0], $0xffff;
	[tilespmem:s30+$0xFFFFFF20] =	vst v55  }
0xb7: {  	v29 =	vor.u32 v3, v13;
	v20 =	vld.idx.msk [tilespmem:v51+s10+$0x0], $0xffff;
	[tilespmem:s30+$0xFFFFFE20] =	vst v22  }
0xb8: {  	v61 =	vor.u32 v3, v10;
	[tilespmem:s30+$0x1A0] =	vst v24;
	v28 =	vld.idx.msk [tilespmem:v58+s10+$0x0], $0xffff  }
0xb9: {  	v30 =	vor.u32 v3, v14;
	v17 =	vld.idx.msk [tilespmem:v59+s10+$0x0], $0xffff;
	[tilespmem:s30+$0xA0] =	vst v60  }
0xba: {  	v63 =	vor.u32 v3, v11;
	v37 =	vld.idx.msk [tilespmem:v31+s10+$0x0], $0xffff;
	[tilespmem:s30+$0xFFFFFFA0] =	vst v16  }
0xbb: {  	v32 =	vor.u32 v4, v9;
	v25 =	vld.idx.msk [tilespmem:v53+s10+$0x0], $0xffff;
	[tilespmem:s30+$0x120] =	vst v23  }
0xbc: {  	v33 =	vor.u32 v4, v8;
	v34 =	vld.idx.msk [tilespmem:v29+s10+$0x0], $0xffff;
	[tilespmem:s30+$0x20] =	vst v20  }
0xbd: {  	v62 =	vor.u32 v4, v15;
	v19 =	vld.idx.msk [tilespmem:v61+s10+$0x0], $0xffff;
	[tilespmem:s30+$0xFFFFFEB0] =	vst v28  }
0xbe: {  	v39 =	vor.u32 v4, v13;
	v20 =	vld.idx.msk [tilespmem:v30+s10+$0x0], $0xffff;
	[tilespmem:s30+$0xFFFFFF30] =	vst v17  }
0xbf: {  	v36 =	vor.u32 v4, v10;
	v21 =	vld.idx.msk [tilespmem:v63+s10+$0x0], $0xffff;
	[tilespmem:s30+$0xFFFFFE30] =	vst v37  }
0xc0: {  	v41 =	vor.u32 v4, v12;
	[tilespmem:s30+$0x1B0] =	vst v25;
	v18 =	vld.idx.msk [tilespmem:v32+s10+$0x0], $0xffff  }
0xc1: {  	v38 =	vor.u32 v4, v11;
	v23 =	vld.idx.msk [tilespmem:v33+s10+$0x0], $0xffff;
	[tilespmem:s30+$0xB0] =	vst v34  }
0xc2: {  	v40 =	vor.u32 v4, v14;
	v26 =	vld.idx.msk [tilespmem:v62+s10+$0x0], $0xffff;
	[tilespmem:s30+$0xFFFFFFB0] =	vst v19  }
0xc3: {  	v42 =	vor.u32 v5, v9;
	v19 =	vld.idx.msk [tilespmem:v39+s10+$0x0], $0xffff;
	[tilespmem:s30+$0x130] =	vst v20  }
0xc4: {  	v35 =	vor.u32 v5, v15;
	v16 =	vld.idx.msk [tilespmem:v36+s10+$0x0], $0xffff;
	[tilespmem:s30+$0x30] =	vst v21  }
0xc5: {  	v45 =	vor.u32 v5, v8;
	v21 =	vld.idx.msk [tilespmem:v41+s10+$0x0], $0xffff;
	[tilespmem:s30+$0xFFFFFEC0] =	vst v18  }
0xc6: {  	v46 =	vor.u32 v5, v10;
	v43 =	vld.idx.msk [tilespmem:v38+s10+$0x0], $0xffff;
	[tilespmem:s30+$0xFFFFFF40] =	vst v23  }
0xc7: {  	v50 =	vor.u32 v5, v12;
	[tilespmem:s30+$0x1C0] =	vst v26;
	v26 =	vld.idx.msk [tilespmem:v40+s10+$0x0], $0xffff  }
0xc8: {  	v47 =	vor.u32 v5, v11;
	v22 =	vld.idx.msk [tilespmem:v42+s10+$0x0], $0xffff;
	[tilespmem:s30+$0xC0] =	vst v19  }
0xc9: {  	v48 =	vor.u32 v5, v13;
	v24 =	vld.idx.msk [tilespmem:v35+s10+$0x0], $0xffff;
	[tilespmem:s30+$0xFFFFFFC0] =	vst v16  }
0xca: {  	v49 =	vor.u32 v5, v14;
	v17 =	vld.idx.msk [tilespmem:v45+s10+$0x0], $0xffff;
	[tilespmem:s30+$0xFFFFFE40] =	vst v21  }
0xcb: {  	v51 =	vor.u32 v6, v9;
	v18 =	vld.idx.msk [tilespmem:v46+s10+$0x0], $0xffff;
	[tilespmem:s30+$0x40] =	vst v43  }
0xcc: {  	v52 =	vor.u32 v6, v8;
	v20 =	vld.idx.msk [tilespmem:v50+s10+$0x0], $0xffff;
	[tilespmem:s30+$0x140] =	vst v26  }
0xcd: {  	v44 =	vor.u32 v6, v15;
	v23 =	vld.idx.msk [tilespmem:v47+s10+$0x0], $0xffff;
	[tilespmem:s30+$0xFFFFFED0] =	vst v22  }
0xce: {  	v53 =	vor.u32 v6, v10;
	[tilespmem:s30+$0x1D0] =	vst v24;
	v24 =	vld.idx.msk [tilespmem:v48+s10+$0x0], $0xffff  }
0xcf: {  	v58 =	vor.u32 v6, v12;
	[tilespmem:s30+$0xFFFFFF50] =	vst v17;
	v16 =	vld.idx.msk [tilespmem:v49+s10+$0x0], $0xffff  }
0xd0: {  	v54 =	vor.u32 v6, v11;
	v56 =	vld.idx.msk [tilespmem:v51+s10+$0x0], $0xffff;
	[tilespmem:s30+$0xFFFFFFD0] =	vst v18  }
0xd1: {  	v55 =	vor.u32 v6, v13;
	v21 =	vld.idx.msk [tilespmem:v52+s10+$0x0], $0xffff;
	[tilespmem:s30+$0xFFFFFE50] =	vst v20  }
0xd2: {  	v57 =	vor.u32 v6, v14;
	v25 =	vld.idx.msk [tilespmem:v44+s10+$0x0], $0xffff;
	[tilespmem:s30+$0x50] =	vst v23  }
0xd3: {  	v9 =	vor.u32 v7, v9;
	v22 =	vld.idx.msk [tilespmem:v53+s10+$0x0], $0xffff;
	[tilespmem:s30+$0xD0] =	vst v24  }
0xd4: {  	v8 =	vor.u32 v7, v8;
	v61 =	vld.idx.msk [tilespmem:v58+s10+$0x0], $0xffff;
	[tilespmem:s30+$0x150] =	vst v16  }
0xd5: {  	v15 =	vor.u32 v7, v15;
	v59 =	vld.idx.msk [tilespmem:v54+s10+$0x0], $0xffff;
	[tilespmem:s30+$0xFFFFFEE0] =	vst v56  }
0xd6: {  	v10 =	vor.u32 v7, v10;
	[tilespmem:s30+$0xFFFFFF60] =	vst v21;
	v17 =	vld.idx.msk [tilespmem:v55+s10+$0x0], $0xffff  }
0xd7: {  	v62 =	vor.u32 v7, v12;
	[tilespmem:s30+$0x1E0] =	vst v25;
	v60 =	vld.idx.msk [tilespmem:v57+s10+$0x0], $0xffff  }
0xd8: {  	v11 =	vor.u32 v7, v11;
	v9 =	vld.idx.msk [tilespmem:v9+s10+$0x0], $0xffff;
	[tilespmem:s30+$0xFFFFFFE0] =	vst v22  }
0xd9: {  	v13 =	vor.u32 v7, v13;
	v8 =	vld.idx.msk [tilespmem:v8+s10+$0x0], $0xffff;
	[tilespmem:s30+$0xFFFFFE60] =	vst v61  }
0xda: {  	v14 =	vor.u32 v7, v14;
	v15 =	vld.idx.msk [tilespmem:v15+s10+$0x0], $0xffff;
	[tilespmem:s30+$0x60] =	vst v59  }
0xdb: {  	v10 =	vld.idx.msk [tilespmem:v10+s10+$0x0], $0xffff;
	[tilespmem:s30+$0xE0] =	vst v17  }
0xdc: {  	v63 =	vld.idx.msk [tilespmem:v62+s10+$0x0], $0xffff;
	[tilespmem:s30+$0x160] =	vst v60  }
0xdd: {  	v11 =	vld.idx.msk [tilespmem:v11+s10+$0x0], $0xffff;
	[tilespmem:s30+$0xFFFFFEF0] =	vst v9  }
0xde: {  	[tilespmem:s30+$0xFFFFFF70] =	vst v8;
	v13 =	vld.idx.msk [tilespmem:v13+s10+$0x0], $0xffff  }
0xdf: {  	[tilespmem:s30+$0x1F0] =	vst v15;
	v14 =	vld.idx.msk [tilespmem:v14+s10+$0x0], $0xffff  }
0xe0: {  	s23 =	sadd.s32 s6, s23;
	p1 =	sne.s32 s21, $0x63;
	[tilespmem:s30+$0xFFFFFFF0] =	vst v10  }
.Ltmp1:
0xe1: {  	s31 =	sshll.u32 s23, $0x7;
	[tilespmem:s30+$0xFFFFFE70] =	vst v63;
	(pc) =	sbr.rel @p1 .LBB2_6-.Ltmp1, $4  }
0xe2: {  	s23 =	sshll.u32 s23, $0xA;
	s25 =	sand.u32 $0x3F00, s31;
	[tilespmem:s30+$0x70] =	vst v11  }
0xe3: {  	s23 =	sand.u32 $0xFFE0000, s23;
	s25 =	sadd.s32 s2, s25;
	[tilespmem:s30+$0xF0] =	vst v13  }
0xe4: {  	s23 =	sadd.s32 s23, s25;
	[tilespmem:s30+$0x170] =	vst v14  }
0xe5: {  	[hbm4b:s23+s13] =	stream.strided.scatter [tilespmem:s15], [sflag:$0x3], $0x2000, s14, s13, $0x38;
	[tilespmem:$0x12400] =	vst v63  }
.Ltmp2:
0xe6: {  	(pc) =	sbr.rel .LBB2_7-.Ltmp2, $4  }
0xe7: {  	_ = 	snop  }
0xe8: {  	_ =	swait.ge [sflag:s16], $0x4000  }
0xe9: {  	[sflag:s16] =	ssyncset.done $0x0  }
0xea: {  	[sflag:s16] =	ssyncadd.s32 $0xFFFFC000  }
.LBB2_6:
0xeb: {  	s23 =	sshll.u32 s21, $0x8  }
0xec: {  	s23 =	sand.u32 $0x3FFFFF00, s23  }
.Ltmp3:
0xed: {  	s23 =	sadd.s32 $0x100, s23;
	(pc) =	sbr.rel @p0 .LBB2_8-.Ltmp3, $4  }
0xee: {  	[tilespmem:s10], [sflag:$0x1] =	stream.indirect.gather [hbm4b:s4+s9], $0x80, s23, s9, $0xb8;
	[tilespmem:$0x12400] =	vst v63  }
0xef: {  	_ =	swait.ge [sflag:s16], $0x4000  }
0xf0: {  	[sflag:s16] =	ssyncset.done $0x0  }
0xf1: {  	[sflag:s16] =	ssyncadd.s32 $0xFFFFC000  }
.LBB2_7:
0xf2: {  	_ =	swait.ge [sflag:s17], $0x2000  }
0xf3: {  	[sflag:s17] =	ssyncset.done $0x0  }
0xf4: {  	[sflag:s17] =	ssyncadd.s32 $0xFFFFE000  }
.LBB2_8:
0xf5: {  	s23 =	simm.s32 $0x0;
	s29 =	simm.s32 $0x1;
	s24 =	simm.s32 $0x2  }
0xf6: {  	s25 =	simm.s32 $0x7;
	s30 =	simm.s32 $0x3;
	v8 =	vmov s23;
	v10 =	vmov s29;
	v11 =	vmov s24  }
0xf7: {  	s31 =	simm.s32 $0x4;
	v12 =	vmov s25;
	v13 =	vmov s30;
	v8 =	vand.u32 $0x78, v8  }
0xf8: {  	v16 =	vmov s31;
	s25 =	simm.s32 $0x5;
	v12 =	vand.u32 $0x7F, v12;
	v8 =	vbroadcast v8, $0x0  }
0xf9: {  	v17 =	vmov s25;
	v10 =	vand.u32 $0x79, v10;
	v12 =	vbroadcast v12, $0x0  }
0xfa: {  	v15 =	vbroadcast v10, $0x0;
	v10 =	vand.u32 $0x7A, v11;
	v9 =	vor.u32 v0, v8  }
0xfb: {  	v14 =	vbroadcast v10, $0x0;
	v10 =	vand.u32 $0x7B, v13;
	v19 =	vor.u32 v0, v12  }
0xfc: {  	v20 =	vor.u32 v0, v15;
	v13 =	vbroadcast v10, $0x0;
	v10 =	vand.u32 $0x7C, v16  }
0xfd: {  	s26 =	simm.s32 $0x6;
	v16 =	vor.u32 v0, v14;
	v11 =	vbroadcast v10, $0x0;
	v10 =	vand.u32 $0x7D, v17  }
0xfe: {  	v18 =	vmov s26;
	v17 =	vor.u32 v0, v13;
	v10 =	vbroadcast v10, $0x0  }
0xff: {  	v18 =	vand.u32 $0x7E, v18;
	v22 =	vor.u32 v0, v11;
	v21 =	vld.idx.msk [tilespmem:v9+s11+$0x0], $0xffff  }
0x100: {  	v9 =	vbroadcast v18, $0x0;
	v18 =	vor.u32 v0, v10;
	v19 =	vld.idx.msk [tilespmem:v19+s11+$0x0], $0xffff  }
0x101: {  	v24 =	vor.u32 v1, v12;
	v20 =	vld.idx.msk [tilespmem:v20+s11+$0x0], $0xffff  }
0x102: {  	v25 =	vor.u32 v1, v15;
	v16 =	vld.idx.msk [tilespmem:v16+s11+$0x0], $0xffff  }
0x103: {  	v23 =	vor.u32 v0, v9;
	v17 =	vld.idx.msk [tilespmem:v17+s11+$0x0], $0xffff  }
0x104: {  	s23 =	simm.s32 $0x10600;
	v26 =	vor.u32 v1, v14;
	v22 =	vld.idx.msk [tilespmem:v22+s11+$0x0], $0xffff  }
0x105: {  	v27 =	vor.u32 v1, v13;
	v18 =	vld.idx.msk [tilespmem:v18+s11+$0x0], $0xffff;
	[tilespmem:s23+$0x180] =	vst v19  }
0x106: {  	v28 =	vor.u32 v1, v11;
	[tilespmem:s23+$0xFFFFFE80] =	vst v20;
	v20 =	vld.idx.msk [tilespmem:v24+s11+$0x0], $0xffff  }
0x107: {  	v19 =	vor.u32 v1, v10;
	v24 =	vld.idx.msk [tilespmem:v25+s11+$0x0], $0xffff;
	[tilespmem:s23+$0xFFFFFF00] =	vst v16  }
0x108: {  	v23 =	vld.idx.msk [tilespmem:v23+s11+$0x0], $0xffff;
	[tilespmem:s23+$0xFFFFFF80] =	vst v17;
	v17 =	vor.u32 v2, v12  }
0x109: {  	[tilespmem:s23+$0xFFFFFE00] =	vst v21;
	v25 =	vld.idx.msk [tilespmem:v26+s11+$0x0], $0xffff;
	v26 =	vor.u32 v1, v8  }
0x10a: {  	v16 =	vor.u32 v1, v9;
	v27 =	vld.idx.msk [tilespmem:v27+s11+$0x0], $0xffff;
	[tilespmem:s23+$0x0] =	vst v22  }
0x10b: {  	v22 =	vor.u32 v2, v15;
	v28 =	vld.idx.msk [tilespmem:v28+s11+$0x0], $0xffff;
	[tilespmem:s23+$0x80] =	vst v18  }
0x10c: {  	v18 =	vor.u32 v2, v14;
	v19 =	vld.idx.msk [tilespmem:v19+s11+$0x0], $0xffff;
	[tilespmem:s23+$0x190] =	vst v20  }
0x10d: {  	v20 =	vor.u32 v2, v11;
	[tilespmem:s23+$0xFFFFFE90] =	vst v24;
	v17 =	vld.idx.msk [tilespmem:v17+s11+$0x0], $0xffff  }
0x10e: {  	[tilespmem:s23+$0x100] =	vst v23;
	v23 =	vor.u32 v2, v13;
	v21 =	vld.idx.msk [tilespmem:v26+s11+$0x0], $0xffff  }
0x10f: {  	v24 =	vor.u32 v2, v10;
	[tilespmem:s23+$0xFFFFFF10] =	vst v25;
	v16 =	vld.idx.msk [tilespmem:v16+s11+$0x0], $0xffff  }
0x110: {  	v25 =	vor.u32 v3, v12;
	v22 =	vld.idx.msk [tilespmem:v22+s11+$0x0], $0xffff;
	[tilespmem:s23+$0xFFFFFF90] =	vst v27  }
0x111: {  	v26 =	vor.u32 v2, v9;
	[tilespmem:s23+$0x10] =	vst v28;
	v18 =	vld.idx.msk [tilespmem:v18+s11+$0x0], $0xffff  }
0x112: {  	v27 =	vor.u32 v2, v8;
	v20 =	vld.idx.msk [tilespmem:v20+s11+$0x0], $0xffff;
	[tilespmem:s23+$0x90] =	vst v19  }
0x113: {  	v28 =	vor.u32 v3, v15;
	v23 =	vld.idx.msk [tilespmem:v23+s11+$0x0], $0xffff;
	[tilespmem:s23+$0x1A0] =	vst v17  }
0x114: {  	v19 =	vor.u32 v3, v14;
	v24 =	vld.idx.msk [tilespmem:v24+s11+$0x0], $0xffff;
	[tilespmem:s23+$0xFFFFFE10] =	vst v21  }
0x115: {  	v21 =	vor.u32 v3, v11;
	[tilespmem:s23+$0x110] =	vst v16;
	v16 =	vld.idx.msk [tilespmem:v25+s11+$0x0], $0xffff  }
0x116: {  	v17 =	vor.u32 v3, v13;
	[tilespmem:s23+$0xFFFFFEA0] =	vst v22;
	v25 =	vld.idx.msk [tilespmem:v26+s11+$0x0], $0xffff  }
0x117: {  	v22 =	vor.u32 v4, v12;
	v26 =	vld.idx.msk [tilespmem:v27+s11+$0x0], $0xffff;
	[tilespmem:s23+$0xFFFFFF20] =	vst v18  }
0x118: {  	v27 =	vld.idx.msk [tilespmem:v28+s11+$0x0], $0xffff;
	v18 =	vor.u32 v3, v10;
	[tilespmem:s23+$0x20] =	vst v20  }
0x119: {  	v28 =	vor.u32 v3, v8;
	v19 =	vld.idx.msk [tilespmem:v19+s11+$0x0], $0xffff;
	[tilespmem:s23+$0xFFFFFFA0] =	vst v23  }
0x11a: {  	v20 =	vor.u32 v4, v15;
	v21 =	vld.idx.msk [tilespmem:v21+s11+$0x0], $0xffff;
	[tilespmem:s23+$0xA0] =	vst v24  }
0x11b: {  	v23 =	vor.u32 v3, v9;
	v17 =	vld.idx.msk [tilespmem:v17+s11+$0x0], $0xffff;
	[tilespmem:s23+$0x1B0] =	vst v16  }
0x11c: {  	v16 =	vor.u32 v4, v14;
	v22 =	vld.idx.msk [tilespmem:v22+s11+$0x0], $0xffff;
	[tilespmem:s23+$0x120] =	vst v25  }
0x11d: {  	v24 =	vor.u32 v4, v13;
	[tilespmem:s23+$0xFFFFFE20] =	vst v26;
	v18 =	vld.idx.msk [tilespmem:v18+s11+$0x0], $0xffff  }
0x11e: {  	[tilespmem:s23+$0xFFFFFEB0] =	vst v27;
	v27 =	vor.u32 v4, v11;
	v26 =	vld.idx.msk [tilespmem:v28+s11+$0x0], $0xffff  }
0x11f: {  	v25 =	vor.u32 v5, v12;
	v20 =	vld.idx.msk [tilespmem:v20+s11+$0x0], $0xffff;
	[tilespmem:s23+$0xFFFFFF30] =	vst v19  }
0x120: {  	v19 =	vor.u32 v4, v10;
	v23 =	vld.idx.msk [tilespmem:v23+s11+$0x0], $0xffff;
	[tilespmem:s23+$0x30] =	vst v21  }
0x121: {  	v28 =	vor.u32 v4, v8;
	v16 =	vld.idx.msk [tilespmem:v16+s11+$0x0], $0xffff;
	[tilespmem:s23+$0xFFFFFFB0] =	vst v17  }
0x122: {  	v17 =	vor.u32 v4, v9;
	v24 =	vld.idx.msk [tilespmem:v24+s11+$0x0], $0xffff;
	[tilespmem:s23+$0x1C0] =	vst v22  }
0x123: {  	v22 =	vor.u32 v5, v15;
	v27 =	vld.idx.msk [tilespmem:v27+s11+$0x0], $0xffff;
	[tilespmem:s23+$0xB0] =	vst v18  }
0x124: {  	v21 =	vld.idx.msk [tilespmem:v25+s11+$0x0], $0xffff;
	v25 =	vor.u32 v5, v14;
	[tilespmem:s23+$0xFFFFFE30] =	vst v26  }
0x125: {  	v18 =	vld.idx.msk [tilespmem:v19+s11+$0x0], $0xffff;
	v19 =	vor.u32 v6, v12;
	[tilespmem:s23+$0xFFFFFEC0] =	vst v20  }
0x126: {  	v26 =	vld.idx.msk [tilespmem:v28+s11+$0x0], $0xffff;
	v20 =	vor.u32 v5, v11;
	[tilespmem:s23+$0x130] =	vst v23  }
0x127: {  	v23 =	vor.u32 v5, v13;
	v17 =	vld.idx.msk [tilespmem:v17+s11+$0x0], $0xffff  }
0x128: {  	[tilespmem:s23+$0xFFFFFF40] =	vst v16;
	v16 =	vor.u32 v5, v10;
	v22 =	vld.idx.msk [tilespmem:v22+s11+$0x0], $0xffff  }
0x129: {  	v28 =	vor.u32 v5, v9;
	v25 =	vld.idx.msk [tilespmem:v25+s11+$0x0], $0xffff;
	[tilespmem:s23+$0x1D0] =	vst v21  }
0x12a: {  	[tilespmem:s23+$0x40] =	vst v27;
	v21 =	vor.u32 v5, v8;
	v19 =	vld.idx.msk [tilespmem:v19+s11+$0x0], $0xffff  }
0x12b: {  	[tilespmem:s23+$0xFFFFFFC0] =	vst v24;
	v24 =	vor.u32 v6, v15;
	v20 =	vld.idx.msk [tilespmem:v20+s11+$0x0], $0xffff  }
0x12c: {  	v12 =	vor.u32 v7, v12;
	[tilespmem:s23+$0xC0] =	vst v18;
	v23 =	vld.idx.msk [tilespmem:v23+s11+$0x0], $0xffff  }
0x12d: {  	v18 =	vor.u32 v6, v14;
	v29 =	vld.idx.msk [tilespmem:v16+s11+$0x0], $0xffff;
	[tilespmem:s23+$0x140] =	vst v17  }
0x12e: {  	s24 =	simm.s32 $0x8;
	[tilespmem:s23+$0xFFFFFE40] =	vst v26;
	v16 =	vor.u32 v6, v13;
	v26 =	vld.idx.msk [tilespmem:v28+s11+$0x0], $0xffff  }
0x12f: {  	[tilespmem:s23+$0xFFFFFED0] =	vst v22;
	v22 =	vor.u32 v6, v11;
	v30 =	vld.idx.msk [tilespmem:v21+s11+$0x0], $0xffff;
	v21 =	vmov s24  }
0x130: {  	v31 =	vor.u32 v6, v10;
	v17 =	vld.idx.msk [tilespmem:v24+s11+$0x0], $0xffff;
	[tilespmem:s23+$0x1E0] =	vst v19;
	v19 =	vand.u32 $0x78, v21  }
0x131: {  	v32 =	vor.u32 v6, v9;
	[tilespmem:s23+$0xFFFFFF50] =	vst v25;
	v27 =	vld.idx.msk [tilespmem:v12+s11+$0x0], $0xffff;
	v12 =	vbroadcast v19, $0x0  }
0x132: {  	v28 =	vor.u32 v6, v8;
	v21 =	vld.idx.msk [tilespmem:v18+s11+$0x0], $0xffff;
	[tilespmem:s23+$0xFFFFFFD0] =	vst v23  }
0x133: {  	[tilespmem:s23+$0x50] =	vst v20;
	v18 =	vld.idx.msk [tilespmem:v16+s11+$0x0], $0xffff;
	v16 =	vor.u32 v0, v12  }
0x134: {  	s29 =	simm.s32 $0x9;
	s26 =	simm.s32 $0xA;
	v24 =	vor.u32 v7, v15;
	[tilespmem:s23+$0xD0] =	vst v29;
	v19 =	vld.idx.msk [tilespmem:v22+s11+$0x0], $0xffff  }
0x135: {  	s30 =	simm.s32 $0xB;
	s31 =	simm.s32 $0xC;
	v14 =	vor.u32 v7, v14;
	v15 =	vmov s29;
	v25 =	vmov s26;
	v20 =	vld.idx.msk [tilespmem:v31+s11+$0x0], $0xffff;
	[tilespmem:s23+$0x150] =	vst v26  }
0x136: {  	s28 =	simm.s32 $0xD;
	s25 =	simm.s32 $0x10;
	v13 =	vor.u32 v7, v13;
	s26 =	simm.s32 $0xF;
	v26 =	vmov s30;
	v22 =	vmov s31;
	[tilespmem:s23+$0xFFFFFE50] =	vst v30;
	v23 =	vld.idx.msk [tilespmem:v32+s11+$0x0], $0xffff  }
.LBB2_9:
0x137: {  	p0 =	slt.u32 s25, $0x38;
	v29 =	vmov s28;
	s28 =	sadd.s32 $0x6, s24;
	v30 =	vmov s26;
	v28 =	vld.idx.msk [tilespmem:v28+s11+$0x0], $0xffff;
	v11 =	vor.u32 v7, v11;
	[tilespmem:s23+$0x1F0] =	vst v27;
	s24 =	smov.u32 s25  }
0x138: {  	v10 =	vor.u32 v7, v10;
	v27 =	vld.idx.msk [tilespmem:v16+s11+$0x0], $0xffff;
	v31 =	vmov s28;
	v16 =	vand.u32 $0x7F, v30;
	[tilespmem:s23+$0xFFFFFEE0] =	vst v17  }
0x139: {  	v15 =	vand.u32 $0x79, v15;
	v9 =	vor.u32 v7, v9;
	v16 =	vbroadcast v16, $0x0;
	v17 =	vld.idx.msk [tilespmem:v24+s11+$0x0], $0xffff;
	[tilespmem:s23+$0xFFFFFF60] =	vst v21  }
0x13a: {  	v15 =	vbroadcast v15, $0x0;
	v21 =	vand.u32 $0x7A, v25;
	v24 =	vor.u32 v7, v8;
	v8 =	vmovc v12;
	v25 =	vld.idx.msk [tilespmem:v14+s11+$0x0], $0xffff;
	[tilespmem:s23+$0xFFFFFFE0] =	vst v18  }
0x13b: {  	v12 =	vand.u32 $0x7B, v26;
	v14 =	vbroadcast v21, $0x0;
	v18 =	vor.u32 v0, v16;
	v21 =	vld.idx.msk [tilespmem:v13+s11+$0x0], $0xffff;
	[tilespmem:s23+$0x60] =	vst v19  }
0x13c: {  	v19 =	vor.u32 v0, v15;
	v13 =	vbroadcast v12, $0x0;
	v12 =	vand.u32 $0x7C, v22;
	v22 =	vld.idx.msk [tilespmem:v11+s11+$0x0], $0xffff;
	[tilespmem:s23+$0xE0] =	vst v20  }
0x13d: {  	v20 =	vor.u32 v0, v14;
	v11 =	vbroadcast v12, $0x0;
	v12 =	vand.u32 $0x7D, v29;
	v26 =	vld.idx.msk [tilespmem:v10+s11+$0x0], $0xffff;
	[tilespmem:s23+$0x160] =	vst v23  }
0x13e: {  	v23 =	vor.u32 v0, v13;
	v10 =	vbroadcast v12, $0x0;
	v12 =	vand.u32 $0x7E, v31;
	[tilespmem:s23+$0xFFFFFE60] =	vst v28;
	v28 =	vld.idx.msk [tilespmem:v9+s11+$0x0], $0xffff  }
0x13f: {  	v29 =	vor.u32 v0, v11;
	v9 =	vbroadcast v12, $0x0;
	v12 =	vld.idx.msk [tilespmem:v24+s11+$0x0], $0xffff;
	[tilespmem:s23+$0xFFFFFEF0] =	vst v17  }
0x140: {  	v17 =	vor.u32 v0, v10;
	v18 =	vld.idx.msk [tilespmem:v18+s11+$0x0], $0xffff;
	[tilespmem:s23+$0xFFFFFF70] =	vst v25  }
0x141: {  	v24 =	vor.u32 v0, v9;
	v19 =	vld.idx.msk [tilespmem:v19+s11+$0x0], $0xffff;
	[tilespmem:s23+$0xFFFFFFF0] =	vst v21  }
0x142: {  	v21 =	vor.u32 v1, v16;
	v20 =	vld.idx.msk [tilespmem:v20+s11+$0x0], $0xffff;
	[tilespmem:s23+$0x70] =	vst v22  }
0x143: {  	v22 =	vor.u32 v1, v15;
	v23 =	vld.idx.msk [tilespmem:v23+s11+$0x0], $0xffff;
	[tilespmem:s23+$0xF0] =	vst v26  }
0x144: {  	v25 =	vor.u32 v1, v14;
	v26 =	vld.idx.msk [tilespmem:v29+s11+$0x0], $0xffff;
	[tilespmem:s23+$0x170] =	vst v28  }
0x145: {  	v28 =	vor.u32 v1, v13;
	v17 =	vld.idx.msk [tilespmem:v17+s11+$0x0], $0xffff;
	[tilespmem:s23+$0xFFFFFE70] =	vst v12;
	s23 =	sadd.s32 $0x400, s23  }
0x146: {  	v12 =	vor.u32 v1, v11;
	v24 =	vld.idx.msk [tilespmem:v24+s11+$0x0], $0xffff;
	[tilespmem:s23+$0x180] =	vst v18  }
0x147: {  	v18 =	vor.u32 v1, v10;
	[tilespmem:s23+$0xFFFFFE80] =	vst v19;
	v19 =	vld.idx.msk [tilespmem:v21+s11+$0x0], $0xffff  }
0x148: {  	v21 =	vld.idx.msk [tilespmem:v22+s11+$0x0], $0xffff;
	[tilespmem:s23+$0xFFFFFF00] =	vst v20;
	v20 =	vor.u32 v1, v9  }
0x149: {  	v22 =	vld.idx.msk [tilespmem:v25+s11+$0x0], $0xffff;
	[tilespmem:s23+$0xFFFFFF80] =	vst v23;
	v23 =	vor.u32 v2, v16  }
0x14a: {  	v25 =	vor.u32 v1, v8;
	v28 =	vld.idx.msk [tilespmem:v28+s11+$0x0], $0xffff;
	[tilespmem:s23+$0x0] =	vst v26  }
0x14b: {  	v26 =	vor.u32 v2, v15;
	v12 =	vld.idx.msk [tilespmem:v12+s11+$0x0], $0xffff;
	[tilespmem:s23+$0x80] =	vst v17  }
0x14c: {  	v17 =	vor.u32 v2, v14;
	v18 =	vld.idx.msk [tilespmem:v18+s11+$0x0], $0xffff;
	[tilespmem:s23+$0x100] =	vst v24  }
0x14d: {  	v24 =	vor.u32 v2, v13;
	v20 =	vld.idx.msk [tilespmem:v20+s11+$0x0], $0xffff;
	[tilespmem:s23+$0x190] =	vst v19  }
0x14e: {  	v19 =	vor.u32 v2, v11;
	[tilespmem:s23+$0xFFFFFE00] =	vst v27;
	v23 =	vld.idx.msk [tilespmem:v23+s11+$0x0], $0xffff  }
0x14f: {  	v25 =	vld.idx.msk [tilespmem:v25+s11+$0x0], $0xffff;
	[tilespmem:s23+$0xFFFFFE90] =	vst v21;
	v21 =	vor.u32 v2, v10  }
0x150: {  	v26 =	vld.idx.msk [tilespmem:v26+s11+$0x0], $0xffff;
	[tilespmem:s23+$0xFFFFFF10] =	vst v22;
	v22 =	vor.u32 v3, v16  }
0x151: {  	v27 =	vor.u32 v2, v9;
	v17 =	vld.idx.msk [tilespmem:v17+s11+$0x0], $0xffff;
	[tilespmem:s23+$0xFFFFFF90] =	vst v28  }
0x152: {  	v28 =	vor.u32 v2, v8;
	v24 =	vld.idx.msk [tilespmem:v24+s11+$0x0], $0xffff;
	[tilespmem:s23+$0x10] =	vst v12  }
0x153: {  	v12 =	vor.u32 v3, v15;
	v19 =	vld.idx.msk [tilespmem:v19+s11+$0x0], $0xffff;
	[tilespmem:s23+$0x90] =	vst v18  }
0x154: {  	v18 =	vor.u32 v3, v14;
	v21 =	vld.idx.msk [tilespmem:v21+s11+$0x0], $0xffff;
	[tilespmem:s23+$0x1A0] =	vst v23  }
0x155: {  	v23 =	vor.u32 v3, v13;
	[tilespmem:s23+$0x110] =	vst v20;
	v20 =	vld.idx.msk [tilespmem:v22+s11+$0x0], $0xffff  }
0x156: {  	v22 =	vor.u32 v3, v11;
	[tilespmem:s23+$0xFFFFFE10] =	vst v25;
	v25 =	vld.idx.msk [tilespmem:v27+s11+$0x0], $0xffff  }
0x157: {  	v27 =	vld.idx.msk [tilespmem:v28+s11+$0x0], $0xffff;
	[tilespmem:s23+$0xFFFFFEA0] =	vst v26;
	v26 =	vor.u32 v4, v16  }
0x158: {  	v12 =	vld.idx.msk [tilespmem:v12+s11+$0x0], $0xffff;
	[tilespmem:s23+$0xFFFFFF20] =	vst v17;
	v17 =	vor.u32 v3, v10  }
0x159: {  	v18 =	vld.idx.msk [tilespmem:v18+s11+$0x0], $0xffff;
	[tilespmem:s23+$0xFFFFFFA0] =	vst v24;
	v24 =	vor.u32 v3, v9  }
0x15a: {  	v28 =	vor.u32 v3, v8;
	v23 =	vld.idx.msk [tilespmem:v23+s11+$0x0], $0xffff;
	[tilespmem:s23+$0x20] =	vst v19  }
0x15b: {  	v19 =	vor.u32 v4, v15;
	v22 =	vld.idx.msk [tilespmem:v22+s11+$0x0], $0xffff;
	[tilespmem:s23+$0x1B0] =	vst v20  }
0x15c: {  	v20 =	vor.u32 v4, v14;
	[tilespmem:s23+$0xA0] =	vst v21;
	v21 =	vld.idx.msk [tilespmem:v26+s11+$0x0], $0xffff  }
0x15d: {  	v26 =	vor.u32 v4, v13;
	v17 =	vld.idx.msk [tilespmem:v17+s11+$0x0], $0xffff;
	[tilespmem:s23+$0x120] =	vst v25  }
0x15e: {  	v25 =	vor.u32 v5, v16;
	[tilespmem:s23+$0xFFFFFE20] =	vst v27;
	v24 =	vld.idx.msk [tilespmem:v24+s11+$0x0], $0xffff  }
0x15f: {  	v27 =	vld.idx.msk [tilespmem:v28+s11+$0x0], $0xffff;
	[tilespmem:s23+$0xFFFFFEB0] =	vst v12;
	v12 =	vor.u32 v4, v11  }
0x160: {  	v19 =	vld.idx.msk [tilespmem:v19+s11+$0x0], $0xffff;
	[tilespmem:s23+$0xFFFFFF30] =	vst v18;
	v18 =	vor.u32 v4, v10  }
0x161: {  	v20 =	vld.idx.msk [tilespmem:v20+s11+$0x0], $0xffff;
	[tilespmem:s23+$0xFFFFFFB0] =	vst v23;
	v23 =	vor.u32 v4, v9  }
0x162: {  	v28 =	vor.u32 v4, v8;
	v26 =	vld.idx.msk [tilespmem:v26+s11+$0x0], $0xffff;
	[tilespmem:s23+$0x1C0] =	vst v21  }
0x163: {  	v21 =	vor.u32 v5, v15;
	[tilespmem:s23+$0x30] =	vst v22;
	v22 =	vld.idx.msk [tilespmem:v25+s11+$0x0], $0xffff  }
0x164: {  	v25 =	vor.u32 v5, v14;
	v12 =	vld.idx.msk [tilespmem:v12+s11+$0x0], $0xffff;
	[tilespmem:s23+$0xB0] =	vst v17  }
0x165: {  	v17 =	vld.idx.msk [tilespmem:v18+s11+$0x0], $0xffff;
	[tilespmem:s23+$0x130] =	vst v24;
	v18 =	vor.u32 v6, v16  }
0x166: {  	v24 =	vor.u32 v5, v13;
	[tilespmem:s23+$0xFFFFFE30] =	vst v27;
	v23 =	vld.idx.msk [tilespmem:v23+s11+$0x0], $0xffff  }
0x167: {  	v27 =	vld.idx.msk [tilespmem:v28+s11+$0x0], $0xffff;
	[tilespmem:s23+$0xFFFFFEC0] =	vst v19;
	v19 =	vor.u32 v5, v11  }
0x168: {  	v21 =	vld.idx.msk [tilespmem:v21+s11+$0x0], $0xffff;
	[tilespmem:s23+$0xFFFFFF40] =	vst v20;
	v20 =	vor.u32 v5, v10  }
0x169: {  	v28 =	vor.u32 v5, v9;
	v25 =	vld.idx.msk [tilespmem:v25+s11+$0x0], $0xffff;
	[tilespmem:s23+$0x1D0] =	vst v22  }
0x16a: {  	v22 =	vor.u32 v5, v8;
	[tilespmem:s23+$0xFFFFFFC0] =	vst v26;
	v18 =	vld.idx.msk [tilespmem:v18+s11+$0x0], $0xffff  }
0x16b: {  	v26 =	vor.u32 v6, v15;
	v24 =	vld.idx.msk [tilespmem:v24+s11+$0x0], $0xffff;
	[tilespmem:s23+$0x40] =	vst v12  }
0x16c: {  	v16 =	vor.u32 v7, v16;
	v19 =	vld.idx.msk [tilespmem:v19+s11+$0x0], $0xffff;
	[tilespmem:s23+$0xC0] =	vst v17  }
0x16d: {  	v29 =	vor.u32 v6, v14;
	v20 =	vld.idx.msk [tilespmem:v20+s11+$0x0], $0xffff;
	[tilespmem:s23+$0x140] =	vst v23  }
0x16e: {  	v23 =	vor.u32 v6, v13;
	[tilespmem:s23+$0xFFFFFE40] =	vst v27;
	v30 =	vld.idx.msk [tilespmem:v28+s11+$0x0], $0xffff  }
0x16f: {  	v12 =	vmov s25;
	v31 =	vld.idx.msk [tilespmem:v22+s11+$0x0], $0xffff;
	[tilespmem:s23+$0xFFFFFED0] =	vst v21;
	v22 =	vor.u32 v6, v11  }
0x170: {  	v12 =	vand.u32 $0x78, v12;
	v17 =	vld.idx.msk [tilespmem:v26+s11+$0x0], $0xffff;
	v26 =	vor.u32 v6, v10;
	[tilespmem:s23+$0x1E0] =	vst v18  }
0x171: {  	v32 =	vor.u32 v6, v9;
	v12 =	vbroadcast v12, $0x0;
	[tilespmem:s23+$0xFFFFFF50] =	vst v25;
	v27 =	vld.idx.msk [tilespmem:v16+s11+$0x0], $0xffff  }
.Ltmp4:
0x172: {  	v28 =	vor.u32 v6, v8;
	v21 =	vld.idx.msk [tilespmem:v29+s11+$0x0], $0xffff;
	[tilespmem:s23+$0xFFFFFFD0] =	vst v24;
	(pc) =	sbr.rel @p0 .LBB2_9-.Ltmp4, $4  }
0x173: {  	v16 =	vor.u32 v0, v12;
	v18 =	vld.idx.msk [tilespmem:v23+s11+$0x0], $0xffff;
	[tilespmem:s23+$0x50] =	vst v19  }
0x174: {  	s26 =	sadd.s32 $0x1, s25;
	s28 =	sadd.s32 $0x2, s25;
	v24 =	vor.u32 v7, v15;
	v19 =	vld.idx.msk [tilespmem:v22+s11+$0x0], $0xffff;
	[tilespmem:s23+$0xD0] =	vst v20  }
0x175: {  	v14 =	vor.u32 v7, v14;
	v25 =	vmov s28;
	s28 =	sadd.s32 $0x4, s25;
	v15 =	vmov s26;
	s26 =	sadd.s32 $0x3, s25;
	v20 =	vld.idx.msk [tilespmem:v26+s11+$0x0], $0xffff;
	[tilespmem:s23+$0x150] =	vst v30  }
0x176: {  	v13 =	vor.u32 v7, v13;
	s25 =	sadd.s32 $0x8, s25;
	v22 =	vmov s28;
	s28 =	sadd.s32 $0x5, s24;
	v26 =	vmov s26;
	s26 =	sadd.s32 $0x7, s24;
	[tilespmem:s23+$0xFFFFFE50] =	vst v31;
	v23 =	vld.idx.msk [tilespmem:v32+s11+$0x0], $0xffff  }
0x177: {  	_ =	sdelay $0x1  }
0x178: {  	[tilespmem:s23+$0x1F0] =	vst v27  }
0x179: {  	[tilespmem:s23+$0xFFFFFEE0] =	vst v17  }
0x17a: {  	v11 =	vor.u32 v7, v11;
	v48 =	vld.idx.msk [tilespmem:v28+s11+$0x0], $0xffff;
	[tilespmem:s23+$0xFFFFFF60] =	vst v21  }
0x17b: {  	v47 =	vmov s28;
	v29 =	vmov s26;
	v30 =	vor.u32 v7, v10;
	v16 =	vld.idx.msk [tilespmem:v16+s11+$0x0], $0xffff;
	[tilespmem:s23+$0xFFFFFFE0] =	vst v18  }
0x17c: {  	v50 =	vand.u32 $0x79, v15;
	v52 =	vor.u32 v7, v9;
	v53 =	vand.u32 $0x7A, v25;
	v51 =	vld.idx.msk [tilespmem:v24+s11+$0x0], $0xffff;
	[tilespmem:s23+$0x60] =	vst v19  }
0x17d: {  	s24 =	sadd.s32 $0x6, s24;
	v54 =	vor.u32 v7, v8;
	v56 =	vand.u32 $0x7B, v26;
	v9 =	vbroadcast v50, $0x0;
	v55 =	vld.idx.msk [tilespmem:v14+s11+$0x0], $0xffff;
	[tilespmem:s23+$0xE0] =	vst v20  }
0x17e: {  	v46 =	vor.u32 v1, v12;
	v49 =	vmov s24;
	v8 =	vbroadcast v53, $0x0;
	v58 =	vld.idx.msk [tilespmem:v13+s11+$0x0], $0xffff;
	[tilespmem:s23+$0x160] =	vst v23  }
0x17f: {  	s30 =	sadd.s32 $0x400, s23;
	v29 =	vand.u32 $0x7F, v29;
	v10 =	vbroadcast v56, $0x0;
	v59 =	vor.u32 v0, v9;
	v61 =	vld.idx.msk [tilespmem:v11+s11+$0x0], $0xffff;
	[tilespmem:s23+$0xFFFFFE60] =	vst v48  }
0x180: {  	v63 =	vand.u32 $0x7D, v47;
	v15 =	vbroadcast v29, $0x0;
	v62 =	vor.u32 v0, v8;
	v30 =	vld.idx.msk [tilespmem:v30+s11+$0x0], $0xffff;
	[tilespmem:s30+$0xFFFFFE00] =	vst v16  }
0x181: {  	v13 =	vbroadcast v63, $0x0;
	v32 =	vand.u32 $0x7E, v49;
	v31 =	vor.u32 v0, v10;
	v24 =	vld.idx.msk [tilespmem:v52+s11+$0x0], $0xffff;
	[tilespmem:s23+$0xFFFFFEF0] =	vst v51  }
0x182: {  	v60 =	vand.u32 $0x7C, v22;
	v14 =	vbroadcast v32, $0x0;
	v57 =	vor.u32 v0, v15;
	v18 =	vld.idx.msk [tilespmem:v54+s11+$0x0], $0xffff;
	[tilespmem:s23+$0xFFFFFF70] =	vst v55  }
0x183: {  	v34 =	vor.u32 v0, v13;
	v11 =	vbroadcast v60, $0x0;
	v52 =	vld.idx.msk [tilespmem:v46+s11+$0x0], $0xffff;
	[tilespmem:s23+$0xFFFFFFF0] =	vst v58  }
0x184: {  	v35 =	vor.u32 v0, v14;
	v20 =	vld.idx.msk [tilespmem:v59+s11+$0x0], $0xffff;
	[tilespmem:s23+$0x70] =	vst v61  }
0x185: {  	v33 =	vor.u32 v0, v11;
	v36 =	vld.idx.msk [tilespmem:v62+s11+$0x0], $0xffff;
	[tilespmem:s23+$0xF0] =	vst v30  }
0x186: {  	v38 =	vor.u32 v1, v9;
	v17 =	vld.idx.msk [tilespmem:v31+s11+$0x0], $0xffff;
	[tilespmem:s23+$0x170] =	vst v24  }
0x187: {  	v39 =	vor.u32 v1, v8;
	v19 =	vld.idx.msk [tilespmem:v57+s11+$0x0], $0xffff;
	[tilespmem:s23+$0xFFFFFE70] =	vst v18  }
0x188: {  	v40 =	vor.u32 v1, v10;
	v25 =	vld.idx.msk [tilespmem:v34+s11+$0x0], $0xffff;
	[tilespmem:s30+$0xFFFFFE10] =	vst v52  }
0x189: {  	v37 =	vor.u32 v1, v15;
	v26 =	vld.idx.msk [tilespmem:v35+s11+$0x0], $0xffff;
	[tilespmem:s30+$0xFFFFFE80] =	vst v20  }
0x18a: {  	v42 =	vor.u32 v1, v13;
	v21 =	vld.idx.msk [tilespmem:v33+s11+$0x0], $0xffff;
	[tilespmem:s30+$0xFFFFFF00] =	vst v36  }
0x18b: {  	v45 =	vor.u32 v1, v14;
	[tilespmem:s30+$0xFFFFFF80] =	vst v17;
	v43 =	vld.idx.msk [tilespmem:v38+s11+$0x0], $0xffff  }
0x18c: {  	v41 =	vor.u32 v1, v11;
	[tilespmem:s30+$0x180] =	vst v19;
	v18 =	vld.idx.msk [tilespmem:v39+s11+$0x0], $0xffff  }
0x18d: {  	v47 =	vor.u32 v2, v9;
	[tilespmem:s30+$0x80] =	vst v25;
	v19 =	vld.idx.msk [tilespmem:v40+s11+$0x0], $0xffff  }
0x18e: {  	v48 =	vor.u32 v2, v8;
	v23 =	vld.idx.msk [tilespmem:v37+s11+$0x0], $0xffff;
	[tilespmem:s30+$0x100] =	vst v26  }
0x18f: {  	v49 =	vor.u32 v2, v10;
	v22 =	vld.idx.msk [tilespmem:v42+s11+$0x0], $0xffff;
	[tilespmem:s30+$0x0] =	vst v21  }
0x190: {  	v57 =	vor.u32 v2, v12;
	v50 =	vld.idx.msk [tilespmem:v45+s11+$0x0], $0xffff;
	[tilespmem:s30+$0xFFFFFE90] =	vst v43  }
0x191: {  	v44 =	vor.u32 v2, v15;
	v20 =	vld.idx.msk [tilespmem:v41+s11+$0x0], $0xffff;
	[tilespmem:s30+$0xFFFFFF10] =	vst v18  }
0x192: {  	v54 =	vor.u32 v2, v13;
	[tilespmem:s30+$0xFFFFFF90] =	vst v19;
	v26 =	vld.idx.msk [tilespmem:v47+s11+$0x0], $0xffff  }
0x193: {  	v56 =	vor.u32 v2, v14;
	[tilespmem:s30+$0x190] =	vst v23;
	v55 =	vld.idx.msk [tilespmem:v48+s11+$0x0], $0xffff  }
0x194: {  	v51 =	vor.u32 v2, v11;
	[tilespmem:s30+$0x90] =	vst v22;
	v16 =	vld.idx.msk [tilespmem:v49+s11+$0x0], $0xffff  }
0x195: {  	v58 =	vor.u32 v3, v9;
	v22 =	vld.idx.msk [tilespmem:v57+s11+$0x0], $0xffff;
	[tilespmem:s30+$0x110] =	vst v50  }
0x196: {  	v59 =	vor.u32 v3, v8;
	v24 =	vld.idx.msk [tilespmem:v44+s11+$0x0], $0xffff;
	[tilespmem:s30+$0x10] =	vst v20  }
0x197: {  	v61 =	vor.u32 v3, v10;
	v60 =	vld.idx.msk [tilespmem:v54+s11+$0x0], $0xffff;
	[tilespmem:s30+$0xFFFFFEA0] =	vst v26  }
0x198: {  	v31 =	vor.u32 v3, v12;
	v23 =	vld.idx.msk [tilespmem:v56+s11+$0x0], $0xffff;
	[tilespmem:s30+$0xFFFFFF20] =	vst v55  }
0x199: {  	v53 =	vor.u32 v3, v15;
	v21 =	vld.idx.msk [tilespmem:v51+s11+$0x0], $0xffff;
	[tilespmem:s30+$0xFFFFFFA0] =	vst v16  }
0x19a: {  	v29 =	vor.u32 v3, v13;
	[tilespmem:s30+$0xFFFFFE20] =	vst v22;
	v28 =	vld.idx.msk [tilespmem:v58+s11+$0x0], $0xffff  }
0x19b: {  	v30 =	vor.u32 v3, v14;
	[tilespmem:s30+$0x1A0] =	vst v24;
	v17 =	vld.idx.msk [tilespmem:v59+s11+$0x0], $0xffff  }
0x19c: {  	v63 =	vor.u32 v3, v11;
	v19 =	vld.idx.msk [tilespmem:v61+s11+$0x0], $0xffff;
	[tilespmem:s30+$0xA0] =	vst v60  }
0x19d: {  	v32 =	vor.u32 v4, v9;
	v37 =	vld.idx.msk [tilespmem:v31+s11+$0x0], $0xffff;
	[tilespmem:s30+$0x120] =	vst v23  }
0x19e: {  	v33 =	vor.u32 v4, v8;
	v25 =	vld.idx.msk [tilespmem:v53+s11+$0x0], $0xffff;
	[tilespmem:s30+$0x20] =	vst v21  }
0x19f: {  	v62 =	vor.u32 v4, v15;
	v34 =	vld.idx.msk [tilespmem:v29+s11+$0x0], $0xffff;
	[tilespmem:s30+$0xFFFFFEB0] =	vst v28  }
0x1a0: {  	v36 =	vor.u32 v4, v10;
	v21 =	vld.idx.msk [tilespmem:v30+s11+$0x0], $0xffff;
	[tilespmem:s30+$0xFFFFFF30] =	vst v17  }
0x1a1: {  	v39 =	vor.u32 v4, v13;
	v20 =	vld.idx.msk [tilespmem:v63+s11+$0x0], $0xffff;
	[tilespmem:s30+$0xFFFFFFB0] =	vst v19  }
0x1a2: {  	v41 =	vor.u32 v4, v12;
	[tilespmem:s30+$0xFFFFFE30] =	vst v37;
	v18 =	vld.idx.msk [tilespmem:v32+s11+$0x0], $0xffff  }
0x1a3: {  	v38 =	vor.u32 v4, v11;
	[tilespmem:s30+$0x1B0] =	vst v25;
	v23 =	vld.idx.msk [tilespmem:v33+s11+$0x0], $0xffff  }
0x1a4: {  	v40 =	vor.u32 v4, v14;
	[tilespmem:s30+$0xB0] =	vst v34;
	v26 =	vld.idx.msk [tilespmem:v62+s11+$0x0], $0xffff  }
0x1a5: {  	v42 =	vor.u32 v5, v9;
	v16 =	vld.idx.msk [tilespmem:v36+s11+$0x0], $0xffff;
	[tilespmem:s30+$0x130] =	vst v21  }
0x1a6: {  	v35 =	vor.u32 v5, v15;
	v19 =	vld.idx.msk [tilespmem:v39+s11+$0x0], $0xffff;
	[tilespmem:s30+$0x30] =	vst v20  }
0x1a7: {  	v45 =	vor.u32 v5, v8;
	v20 =	vld.idx.msk [tilespmem:v41+s11+$0x0], $0xffff;
	[tilespmem:s30+$0xFFFFFEC0] =	vst v18  }
0x1a8: {  	v46 =	vor.u32 v5, v10;
	v43 =	vld.idx.msk [tilespmem:v38+s11+$0x0], $0xffff;
	[tilespmem:s30+$0xFFFFFF40] =	vst v23  }
0x1a9: {  	v50 =	vor.u32 v5, v12;
	[tilespmem:s30+$0x1C0] =	vst v26;
	v26 =	vld.idx.msk [tilespmem:v40+s11+$0x0], $0xffff  }
0x1aa: {  	v47 =	vor.u32 v5, v11;
	[tilespmem:s30+$0xFFFFFFC0] =	vst v16;
	v22 =	vld.idx.msk [tilespmem:v42+s11+$0x0], $0xffff  }
0x1ab: {  	v48 =	vor.u32 v5, v13;
	[tilespmem:s30+$0xC0] =	vst v19;
	v24 =	vld.idx.msk [tilespmem:v35+s11+$0x0], $0xffff  }
0x1ac: {  	v49 =	vor.u32 v5, v14;
	v17 =	vld.idx.msk [tilespmem:v45+s11+$0x0], $0xffff;
	[tilespmem:s30+$0xFFFFFE40] =	vst v20  }
0x1ad: {  	v51 =	vor.u32 v6, v9;
	v18 =	vld.idx.msk [tilespmem:v46+s11+$0x0], $0xffff;
	[tilespmem:s30+$0x40] =	vst v43  }
0x1ae: {  	v52 =	vor.u32 v6, v8;
	v21 =	vld.idx.msk [tilespmem:v50+s11+$0x0], $0xffff;
	[tilespmem:s30+$0x140] =	vst v26  }
0x1af: {  	v53 =	vor.u32 v6, v10;
	v23 =	vld.idx.msk [tilespmem:v47+s11+$0x0], $0xffff;
	[tilespmem:s30+$0xFFFFFED0] =	vst v22  }
0x1b0: {  	v44 =	vor.u32 v6, v15;
	[tilespmem:s30+$0x1D0] =	vst v24;
	v24 =	vld.idx.msk [tilespmem:v48+s11+$0x0], $0xffff  }
0x1b1: {  	v58 =	vor.u32 v6, v12;
	[tilespmem:s30+$0xFFFFFF50] =	vst v17;
	v16 =	vld.idx.msk [tilespmem:v49+s11+$0x0], $0xffff  }
0x1b2: {  	v54 =	vor.u32 v6, v11;
	[tilespmem:s30+$0xFFFFFFD0] =	vst v18;
	v56 =	vld.idx.msk [tilespmem:v51+s11+$0x0], $0xffff  }
0x1b3: {  	v55 =	vor.u32 v6, v13;
	v20 =	vld.idx.msk [tilespmem:v52+s11+$0x0], $0xffff;
	[tilespmem:s30+$0xFFFFFE50] =	vst v21  }
0x1b4: {  	v57 =	vor.u32 v6, v14;
	v22 =	vld.idx.msk [tilespmem:v53+s11+$0x0], $0xffff;
	[tilespmem:s30+$0x50] =	vst v23  }
0x1b5: {  	v9 =	vor.u32 v7, v9;
	v25 =	vld.idx.msk [tilespmem:v44+s11+$0x0], $0xffff;
	[tilespmem:s30+$0xD0] =	vst v24  }
0x1b6: {  	v8 =	vor.u32 v7, v8;
	v61 =	vld.idx.msk [tilespmem:v58+s11+$0x0], $0xffff;
	[tilespmem:s30+$0x150] =	vst v16  }
0x1b7: {  	v10 =	vor.u32 v7, v10;
	v59 =	vld.idx.msk [tilespmem:v54+s11+$0x0], $0xffff;
	[tilespmem:s30+$0xFFFFFEE0] =	vst v56  }
0x1b8: {  	v15 =	vor.u32 v7, v15;
	[tilespmem:s30+$0xFFFFFF60] =	vst v20;
	v17 =	vld.idx.msk [tilespmem:v55+s11+$0x0], $0xffff  }
0x1b9: {  	v62 =	vor.u32 v7, v12;
	[tilespmem:s30+$0xFFFFFFE0] =	vst v22;
	v60 =	vld.idx.msk [tilespmem:v57+s11+$0x0], $0xffff  }
0x1ba: {  	v11 =	vor.u32 v7, v11;
	[tilespmem:s30+$0x1E0] =	vst v25;
	v9 =	vld.idx.msk [tilespmem:v9+s11+$0x0], $0xffff  }
0x1bb: {  	v13 =	vor.u32 v7, v13;
	v8 =	vld.idx.msk [tilespmem:v8+s11+$0x0], $0xffff;
	[tilespmem:s30+$0xFFFFFE60] =	vst v61  }
0x1bc: {  	v14 =	vor.u32 v7, v14;
	v10 =	vld.idx.msk [tilespmem:v10+s11+$0x0], $0xffff;
	[tilespmem:s30+$0x60] =	vst v59  }
0x1bd: {  	v15 =	vld.idx.msk [tilespmem:v15+s11+$0x0], $0xffff;
	[tilespmem:s30+$0xE0] =	vst v17  }
0x1be: {  	v63 =	vld.idx.msk [tilespmem:v62+s11+$0x0], $0xffff;
	[tilespmem:s30+$0x160] =	vst v60  }
0x1bf: {  	v11 =	vld.idx.msk [tilespmem:v11+s11+$0x0], $0xffff;
	[tilespmem:s30+$0xFFFFFEF0] =	vst v9  }
0x1c0: {  	[tilespmem:s30+$0xFFFFFF70] =	vst v8;
	v13 =	vld.idx.msk [tilespmem:v13+s11+$0x0], $0xffff  }
0x1c1: {  	s21 =	sadd.s32 $0x1, s21;
	[tilespmem:s30+$0xFFFFFFF0] =	vst v10;
	v14 =	vld.idx.msk [tilespmem:v14+s11+$0x0], $0xffff  }
0x1c2: {  	s22 =	sadd.s32 s6, s22;
	p0 =	sne.s32 s21, $0x64;
	[tilespmem:s30+$0x1F0] =	vst v15  }
.Ltmp5:
0x1c3: {  	s31 =	sshll.u32 s22, $0x7;
	[tilespmem:s30+$0xFFFFFE70] =	vst v63;
	(pc) =	sbr.rel @p0 .LBB2_2-.Ltmp5, $4  }
0x1c4: {  	s22 =	sshll.u32 s22, $0xA;
	s24 =	sand.u32 $0x3F80, s31;
	[tilespmem:s30+$0x70] =	vst v11  }
0x1c5: {  	s22 =	sand.u32 $0xFFE0000, s22;
	s24 =	sadd.s32 s2, s24;
	[tilespmem:s30+$0xF0] =	vst v13  }
0x1c6: {  	s22 =	sadd.s32 s22, s24;
	[tilespmem:s30+$0x170] =	vst v14  }
0x1c7: {  	[hbm4b:s22+s13] =	stream.strided.scatter [tilespmem:s18], [sflag:$0x4], $0x2000, s14, s13, $0x38;
	[tilespmem:$0x12400] =	vst v63  }
0x1c8: {  	s20 =	sadd.s32 $0x1, s20  }
0x1c9: {  	_ =	swait.ge [sflag:s19], $0x2000;
	p0 =	sne.s32 s20, s7  }
.Ltmp6:
0x1ca: {  	[sflag:s19] =	ssyncset.done $0x0;
	(pc) =	sbr.rel @p0 .LBB2_1-.Ltmp6, $4  }
0x1cb: {  	[sflag:s19] =	ssyncadd.s32 $0xFFFFE000  }
0x1cc: {  	_ =	swait.ge [sflag:s17], $0x2000  }
0x1cd: {  	[sflag:s17] =	ssyncset.done $0x0  }
0x1ce: {  	[sflag:s17] =	ssyncadd.s32 $0xFFFFE000  }
0x1cf: {  	_ =	sfence.sel $0x180000  }
0x1d0: {  	[bflag:$0x0] =	sbarrier.arrive $0xFFFF  }
0x1d1: {  	p0 =	sne.s32 s0, $0x0;
	_ =	strace $0x90000047  }
0x1d2: {  	s0 =	sadd.s32 @!p0 $0x100000, s1;
	[bflag:$0x2] =	sbarrier.arrive $0xFFFF  }
0x1d3: {  	[sflag:s0] =	ssyncadd.tile.s32 @!p0 $0x1;
	_ =	shalt  }
.Lfunc_end2:
_tile_overlayer_lowered:
.L_overlay_start_2:
0x1d4: {  	(tag) =	ssettag $0x2  }
0x1d5: {  	s0 =	rddreg [dreg:$0x0];
	s2 =	stileid.u32  }
0x1d6: {  	s1 =	rddreg [dreg:$0x1];
	p0 =	sne.s32 s2, $0x0  }
0x1d7: {  	s3 =	rddreg [dreg:$0x2];
	[bflag:$0x3] =	sbarrier.arrive $0xFFFF;
	s2 =	simm.s32 @!p0 $0x1C05  }
0x1d8: {  	[timem:s3], [sflag:s2] =	dma.local @!p0 [hbm:s0], s1  }
0x1d9: {  	s0 =	simm.s32 @!p0 $0x5  }
0x1da: {  	_ =	swait.ge @!p0 [sflag:s0], s1  }
0x1db: {  	s1 =	ssub.s32 @!p0 $0x0, s1;
	[sflag:s0] =	ssyncset.done @!p0 $0x0  }
0x1dc: {  	[sflag:s0] =	ssyncadd.s32 @!p0 s1  }
0x1dd: {  	[bflag:$0x3] =	sbarrier.arrive $0xFFFF  }
0x1de: {  	_ =	shalt  }

</sc_bundles>
